<compile_context>
chip_gen: v7x
topology: tpu7x:2x2x1
jax: 0.10.2.dev20260603
libtpu: 0.0.44.dev20260713+nightly
codegen_flags: <defaults>
</compile_context>

<pallas_src>
import functools

import jax
import jax.numpy as jnp
from jax import lax
from jax.experimental import pallas as pl
from jax.experimental.pallas import tpu as pltpu
import jax.experimental.pallas.tpu_sc as plsc


B = 128
N = 2000
NP = 2048
C = 32
D = 128
NW = 32
ROWS_PER_WORKER = B // NW
CHUNK = 128
NCHUNK = NP // CHUNK


def _prep_body(geo_ref, phi_ref, rsrp_ref, emb_ref, out_ref):
    mx = geo_ref[:, 0:1]
    my = geo_ref[:, 1:2]
    c00 = geo_ref[:, 2:3]
    c11 = geo_ref[:, 3:4]
    cs = geo_ref[:, 4:5]
    opa = geo_ref[:, 5:6]
    cidx = lax.broadcasted_iota(jnp.int32, (NP, C), 1)
    cx = (cidx % 4).astype(jnp.float32)
    cy = (cidx // 4).astype(jnp.float32)
    dx0 = cx - mx
    dx1 = cy - my
    q = dx0 * dx0 * c00 + dx1 * dx1 * c11 + dx0 * dx1 * cs
    gw = jnp.exp(-0.5 * q * 0.001)
    m = jnp.minimum(opa * emb_ref[:] * gw * gw, 0.99)
    phi = phi_ref[:]
    out_ref[:, 0:C] = m * jnp.cos(phi)
    out_ref[:, C:2 * C] = m * jnp.sin(phi)
    out_ref[:, 2 * C:3 * C] = rsrp_ref[:]
    out_ref[:, 3 * C:4 * C] = jnp.zeros((NP, C), jnp.float32)


def _prep(geo, phi_p, rsrp_p, emb_p):
    return pl.pallas_call(
        _prep_body,
        out_shape=jax.ShapeDtypeStruct((NP, D), jnp.float32),
    )(geo, phi_p, rsrp_p, emb_p)


NROUNDS = sum(range(1, 12))


def _sort_body(keys_ref, idx_ref):
    lane1 = lax.broadcasted_iota(jnp.int32, (1, NP), 1)
    keys0 = keys_ref[:]
    idx0 = lax.broadcasted_iota(jnp.int32, (B, NP), 1)

    def round_body(r, carry):
        k, j, keys, idx = carry
        s = lax.shift_left(1, j)
        low = (lane1 & s) == 0
        asc = (lane1 & lax.shift_left(1, k)) == 0
        want_self = asc == low
        pk = jnp.where(low, pltpu.roll(keys, NP - s, 1), pltpu.roll(keys, s, 1))
        pi = jnp.where(low, pltpu.roll(idx, NP - s, 1), pltpu.roll(idx, s, 1))
        a_lt = (keys < pk) | ((keys == pk) & (idx < pi))
        take_self = a_lt == want_self
        keys = jnp.where(take_self, keys, pk)
        idx = jnp.where(take_self, idx, pi)
        wrap = j == 0
        k2 = jnp.where(wrap, k + 1, k)
        j2 = jnp.where(wrap, k, j - 1)
        return k2, j2, keys, idx

    _, _, _, idx = lax.fori_loop(
        0, NROUNDS, round_body,
        (jnp.int32(1), jnp.int32(0), keys0, idx0))
    idx_ref[:] = idx


def _sort(keys):
    return pl.pallas_call(
        _sort_body,
        out_shape=jax.ShapeDtypeStruct((B, NP), jnp.int32),
    )(keys)


def _sc_body(table_hbm, idx_hbm, out_hbm, idx_row, buf0, buf1, out_v, sem0, sem1):
    wid = lax.axis_index("s") * 2 + lax.axis_index("c")
    bufs = (buf0, buf1)
    sems = (sem0, sem1)

    def start(slot, ch):
        pltpu.async_copy(
            table_hbm.at[idx_row.at[pl.ds(ch * CHUNK, CHUNK)]],
            bufs[slot], sems[slot])

    def wait(slot, ch):
        pltpu.make_async_copy(
            table_hbm.at[idx_row.at[pl.ds(ch * CHUNK, CHUNK)]],
            bufs[slot], sems[slot]).wait()

    def scan_chunk(buf, carry):
        def step(r, cy):
            (Trl, Trh, Til, Tih,
             Arl, Arh, Ail, Aih,
             Rrl, Rrh, Ril, Rih) = cy
            arl = buf[r, pl.ds(0, 16)]
            arh = buf[r, pl.ds(16, 16)]
            ail = buf[r, pl.ds(32, 16)]
            aih = buf[r, pl.ds(48, 16)]
            rrl = buf[r, pl.ds(64, 16)]
            rrh = buf[r, pl.ds(80, 16)]
            srl = arl * Trl - ail * Til
            sil = arl * Til + ail * Trl
            srh = arh * Trh - aih * Tih
            sih = arh * Tih + aih * Trh
            Arl = Arl + srl
            Ail = Ail + sil
            Arh = Arh + srh
            Aih = Aih + sih
            Rrl = Rrl + srl * rrl
            Ril = Ril + sil * rrl
            Rrh = Rrh + srh * rrh
            Rih = Rih + sih * rrh
            nTrl = Trl - srl
            nTil = Til - sil
            nTrh = Trh - srh
            nTih = Tih - sih
            return (nTrl, nTrh, nTil, nTih,
                    Arl, Arh, Ail, Aih,
                    Rrl, Rrh, Ril, Rih)

        return lax.fori_loop(0, CHUNK, step, carry)

    for rowi in range(ROWS_PER_WORKER):
        b = wid * ROWS_PER_WORKER + rowi
        pltpu.sync_copy(idx_hbm.at[b], idx_row)
        start(0, 0)

        ones = jnp.ones((16,), jnp.float32)
        zeros = jnp.zeros((16,), jnp.float32)
        carry = (ones, ones, zeros, zeros,
                 zeros, zeros, zeros, zeros,
                 zeros, zeros, zeros, zeros)

        def outer(ch2, cy):
            ch0 = ch2 * 2
            wait(0, ch0)
            start(1, ch0 + 1)
            cy = scan_chunk(buf0, cy)
            wait(1, ch0 + 1)

            @pl.when(ch2 < NCHUNK // 2 - 1)
            def _():
                start(0, ch0 + 2)

            return scan_chunk(buf1, cy)

        carry = lax.fori_loop(0, NCHUNK // 2, outer, carry)
        (_, _, _, _, Arl, Arh, Ail, Aih, Rrl, Rrh, Ril, Rih) = carry

        rel = Rrl + 1.0 - Arl
        reh = Rrh + 1.0 - Arh
        iml = Ril - Ail
        imh = Rih - Aih
        out_v[pl.ds(0, 16)] = rel * rel + iml * iml
        out_v[pl.ds(16, 16)] = reh * reh + imh * imh
        pltpu.sync_copy(out_v, out_hbm.at[b, :])


def _sc_call(table, sidx):
    fn = pl.kernel(
        _sc_body,
        out_type=jax.ShapeDtypeStruct((B, C), jnp.float32),
        mesh=plsc.VectorSubcoreMesh(
            core_axis_name="c", subcore_axis_name="s",
            num_cores=2, num_subcores=16,
        ),
        scratch_types=[
            pltpu.VMEM((NP,), jnp.int32),
            pltpu.VMEM((CHUNK, D), jnp.float32),
            pltpu.VMEM((CHUNK, D), jnp.float32),
            pltpu.VMEM((C,), jnp.float32),
            pltpu.SemaphoreType.DMA,
            pltpu.SemaphoreType.DMA,
        ],
    )
    return fn(table, sidx)


def kernel(position_grid, means2D, cov2d, rsrp, opacity, phi_o, depths, embedded):
    del position_grid
    padn = NP - N
    mx = jnp.pad(means2D[:, 0], (0, padn))
    my = jnp.pad(means2D[:, 1], (0, padn))
    c00 = jnp.pad(cov2d[:, 0, 0], (0, padn))
    c11 = jnp.pad(cov2d[:, 1, 1], (0, padn))
    cs = jnp.pad(cov2d[:, 0, 1] + cov2d[:, 1, 0], (0, padn))
    opa = jnp.pad(opacity[:, 0], (0, padn))
    zcol = jnp.zeros((NP,), jnp.float32)
    geo = jnp.stack([mx, my, c00, c11, cs, opa, zcol, zcol], axis=1)
    phi_p = jnp.pad(phi_o, ((0, padn), (0, 0)))
    rsrp_p = jnp.pad(rsrp, ((0, padn), (0, 0)))
    emb_p = jnp.pad(embedded, ((0, padn), (0, 0)))

    table = _prep(geo, phi_p, rsrp_p, emb_p)
    keys = jnp.pad(depths[..., 0], ((0, 0), (0, padn)),
                   constant_values=1e30)
    sidx = _sort(keys)
    return _sc_call(table, sidx)

# --- scband reference (transcript-rebuilt; emitter-appended) ---
"""Pipeline reference for scband-gauss-renderer-27822798143798 (READ-ONLY COPY).

The authoritative reference and input builder live on the scoring server;
editing this copy changes nothing except your own understanding.
"""

import jax, jax.numpy as jnp
import numpy as np

B, N, C = 128, 2000, 32

def setup_inputs(seed: int = 0) -> dict:
    key = jax.random.key(seed)
    ks = jax.random.split(key, 8)
    return {
        "position_grid": jax.random.normal(ks[0], (B, 3), dtype=jnp.float32),
        "means2D": jax.random.uniform(ks[1], (N, 2), dtype=jnp.float32),
        "cov2d": jax.random.normal(ks[2], (N, 2, 2), dtype=jnp.float32),
        "rsrp": jax.random.uniform(ks[3], (N, C), dtype=jnp.float32),
        "opacity": jax.random.uniform(ks[4], (N, 1), dtype=jnp.float32),
        "phi_o": jax.random.normal(ks[5], (N, C), dtype=jnp.float32),
        "depths": jax.random.uniform(ks[6], (B, N, 1), dtype=jnp.float32),
        "embedded": jax.random.uniform(ks[7], (N, C), dtype=jnp.float32),
    }

def _rsrp_coord():
    gx, gy = jnp.meshgrid(jnp.arange(4), jnp.arange(8), indexing='xy')
    return jnp.stack([gx, gy], axis=-1).reshape(-1, 2).astype(jnp.float32)  # (32, 2)

def reference(position_grid, means2D, cov2d, rsrp, opacity, phi_o, depths, embedded):
    b = position_grid.shape[0]
    n = means2D.shape[0]
    c = rsrp.shape[1]
    coord = _rsrp_coord()  # (32, 2)
    d = depths[..., 0]  # (b, n)
    index = jnp.argsort(d, axis=1)  # (b, n)

    means2D_b = jnp.broadcast_to(means2D[None], (b, n, 2))
    cov2d_b = jnp.broadcast_to(cov2d[None], (b, n, 2, 2))
    opacity_b = jnp.broadcast_to(opacity[:, 0][None], (b, n))
    phi_b = jnp.broadcast_to(phi_o[None], (b, n, c))
    rsrp_b = jnp.broadcast_to(rsrp[None], (b, n, c))
    emb_b = jnp.broadcast_to(embedded[None], (b, n, c))

    idx2 = jnp.broadcast_to(index[:, :, None], (b, n, 2))
    sorted_means2D = jnp.take_along_axis(means2D_b, idx2, axis=1)
    idx22 = jnp.broadcast_to(index[:, :, None, None], (b, n, 2, 2))
    sorted_conic = jnp.take_along_axis(cov2d_b, idx22, axis=1)
    sorted_opacity = jnp.take_along_axis(opacity_b, index, axis=1)
    idxc = jnp.broadcast_to(index[:, :, None], (b, n, c))
    sorted_rsrp = jnp.take_along_axis(rsrp_b, idxc, axis=1)
    sorted_phi_o = jnp.take_along_axis(phi_b, idxc, axis=1)
    embedded_sorted = jnp.take_along_axis(emb_b, idxc, axis=1)

    dx = coord[None, None, :, :] - sorted_means2D[:, :, None, :]  # (b, n, 32, 2)
    gauss_weight = jnp.exp(-0.5 * (
        dx[:, :, :, 0] ** 2 * sorted_conic[:, :, 0, 0][..., None]
        + dx[:, :, :, 1] ** 2 * sorted_conic[:, :, 1, 1][..., None]
        + dx[:, :, :, 0] * dx[:, :, :, 1] * sorted_conic[:, :, 0, 1][..., None]
        + dx[:, :, :, 0] * dx[:, :, :, 1] * sorted_conic[:, :, 1, 0][..., None]
    ) * 0.001)

    sorted_opacity2 = sorted_opacity[..., None] * embedded_sorted  # (b, n, c)
    alpha = jnp.minimum(sorted_opacity2 * gauss_weight ** 2, 0.99) * jnp.exp(1j * sorted_phi_o)
    T = jnp.cumprod(jnp.concatenate([jnp.ones_like(alpha[:, :1, :]), 1 - alpha[:, :-1, :]], axis=1), axis=1)
    final_acc_alpha = (alpha * T).sum(axis=1)
    render_rsrp = (T * alpha * sorted_rsrp).sum(axis=1).reshape(b, c) + (1 - final_acc_alpha) * 1.0  # white_bkgd=True
    return jnp.abs(render_rsrp) ** 2

if __name__ == "__main__":
    import jax
    _d = setup_inputs()
    print(jax.jit(kernel)(*tuple(_d.values())))

</pallas_src>

<mosaic_0001>
#map = affine_map<(d0, d1) -> (0, 0)>
module attributes {stable_mosaic.version = 14 : i64} {
  func.func @_sc_body(%arg0: i32, %arg1: i32, %arg2: memref<2048x128xf32, #tpu.memory_space<hbm>>, %arg3: memref<128x2048xi32, #tpu.memory_space<hbm>>, %arg4: memref<128x32xf32, #tpu.memory_space<hbm>>, %arg5: memref<2048xi32, #tpu.memory_space<vmem>>, %arg6: memref<128x128xf32, #tpu.memory_space<vmem>>, %arg7: memref<128x128xf32, #tpu.memory_space<vmem>>, %arg8: memref<32xf32, #tpu.memory_space<vmem>>, %arg9: memref<!tpu.dma_semaphore, #tpu.memory_space<semaphore_mem>>, %arg10: memref<!tpu.dma_semaphore, #tpu.memory_space<semaphore_mem>>) attributes {dimension_semantics = [#tpu.dimension_semantics<core_parallel>, #tpu.dimension_semantics<subcore_parallel>], iteration_bounds = array<i64: 2, 16>, scalar_prefetch = 0 : i64, scratch_operands = 6 : i64, tpu.core_type = #tpu.core_type<sc_vector_subcore>, window_params = [{transform_indices = #map}, {transform_indices = #map}, {transform_indices = #map}]} {
    %mul3A = arith.constant 2 : i32
    %mul3A_0 = arith.muli %arg1, %mul3A : i32
    %add3A = arith.addi %mul3A_0, %arg0 : i32
    %mul3A_1 = arith.constant 4 : i32
    %mul3A_2 = arith.muli %add3A, %mul3A_1 : i32
    %add3A_3 = arith.constant 0 : i32
    %add3A_4 = arith.addi %mul3A_2, %add3A_3 : i32
    "tpu.region"() ({
      %run_scoped3A = tpu.sem_alloc : memref<!tpu.dma_semaphore, #tpu.memory_space<semaphore_mem>>
      %dma_start3A_168 = arith.constant 0 : i32
      %dma_start3A_169 = tpu.memref_slice %arg3[%add3A_4, %dma_start3A_168] : memref<128x2048xi32, #tpu.memory_space<hbm>> -> memref<1x2048xi32, #tpu.memory_space<hbm>>
      %dma_start3A_170 = tpu.memref_squeeze %dma_start3A_169 : memref<1x2048xi32, #tpu.memory_space<hbm>> -> memref<2048xi32, #tpu.memory_space<hbm>>
      %dma_start3A_171 = arith.constant 0 : i32
      %dma_start3A_172 = tpu.memref_slice %arg3[%add3A_4, %dma_start3A_171] : memref<128x2048xi32, #tpu.memory_space<hbm>> -> memref<1x2048xi32, #tpu.memory_space<hbm>>
      %dma_start3A_173 = tpu.memref_squeeze %dma_start3A_172 : memref<1x2048xi32, #tpu.memory_space<hbm>> -> memref<2048xi32, #tpu.memory_space<hbm>>
      tpu.enqueue_dma source(%dma_start3A_173 : memref<2048xi32, #tpu.memory_space<hbm>>) target(%arg5 : memref<2048xi32, #tpu.memory_space<vmem>>) target_semaphore(%run_scoped3A : memref<!tpu.dma_semaphore, #tpu.memory_space<semaphore_mem>>)
      %dma_wait3A = arith.constant 0 : i32
      %dma_wait3A_174 = tpu.memref_slice %arg3[%add3A_4, %dma_wait3A] : memref<128x2048xi32, #tpu.memory_space<hbm>> -> memref<1x2048xi32, #tpu.memory_space<hbm>>
      %dma_wait3A_175 = tpu.memref_squeeze %dma_wait3A_174 : memref<1x2048xi32, #tpu.memory_space<hbm>> -> memref<2048xi32, #tpu.memory_space<hbm>>
      %dma_wait3A_176 = arith.constant 0 : i32
      %dma_wait3A_177 = tpu.memref_slice %arg3[%add3A_4, %dma_wait3A_176] : memref<128x2048xi32, #tpu.memory_space<hbm>> -> memref<1x2048xi32, #tpu.memory_space<hbm>>
      %dma_wait3A_178 = tpu.memref_squeeze %dma_wait3A_177 : memref<1x2048xi32, #tpu.memory_space<hbm>> -> memref<2048xi32, #tpu.memory_space<hbm>>
      tpu.wait_dma2 semaphore(%run_scoped3A : memref<!tpu.dma_semaphore, #tpu.memory_space<semaphore_mem>>) src(%dma_wait3A_178 : memref<2048xi32, #tpu.memory_space<hbm>>) dst(%arg5 : memref<2048xi32, #tpu.memory_space<vmem>>)
      tpu.yield
    }) : () -> ()
    %dma_start3A = arith.constant 0 : i32
    %dma_start3A_5 = tpu.memref_slice %arg5[%dma_start3A] : memref<2048xi32, #tpu.memory_space<vmem>> -> memref<128xi32, #tpu.memory_space<vmem>>
    %dma_start3A_6 = arith.constant 0 : i32
    %dma_start3A_7 = arith.constant 0 : i32
    %dma_start3A_8 = tpu.memref_slice %arg2[%dma_start3A_6, %dma_start3A_7] : memref<2048x128xf32, #tpu.memory_space<hbm>> -> memref<2048x128xf32, #tpu.memory_space<hbm>>
    tpu.enqueue_indirect_dma source(%dma_start3A_8 : memref<2048x128xf32, #tpu.memory_space<hbm>>) target(%arg6 : memref<128x128xf32, #tpu.memory_space<vmem>>) offsets(%dma_start3A_5 : memref<128xi32, #tpu.memory_space<vmem>>) semaphore(%arg9 : memref<!tpu.dma_semaphore, #tpu.memory_space<semaphore_mem>>)
    %broadcast_in_dim3A = arith.constant 1.000000e+00 : f32
    %broadcast_in_dim3A_9 = vector.broadcast %broadcast_in_dim3A : f32 to vector<16xf32>
    %broadcast_in_dim3A_10 = arith.constant 0.000000e+00 : f32
    %broadcast_in_dim3A_11 = vector.broadcast %broadcast_in_dim3A_10 : f32 to vector<16xf32>
    %scan3A = arith.constant 0 : i32
    %scan3A_12 = arith.constant 8 : i32
    %scan3A_13 = arith.addi %scan3A, %scan3A_12 : i32
    %scan3A_14 = arith.constant 1 : i32
    %scan3A_15:12 = scf.for %scan3A_168 = %scan3A to %scan3A_13 step %scan3A_14 iter_args(%scan3A_169 = %broadcast_in_dim3A_9, %scan3A_170 = %broadcast_in_dim3A_9, %scan3A_171 = %broadcast_in_dim3A_11, %scan3A_172 = %broadcast_in_dim3A_11, %scan3A_173 = %broadcast_in_dim3A_11, %scan3A_174 = %broadcast_in_dim3A_11, %scan3A_175 = %broadcast_in_dim3A_11, %scan3A_176 = %broadcast_in_dim3A_11, %scan3A_177 = %broadcast_in_dim3A_11, %scan3A_178 = %broadcast_in_dim3A_11, %scan3A_179 = %broadcast_in_dim3A_11, %scan3A_180 = %broadcast_in_dim3A_11) -> (vector<16xf32>, vector<16xf32>, vector<16xf32>, vector<16xf32>, vector<16xf32>, vector<16xf32>, vector<16xf32>, vector<16xf32>, vector<16xf32>, vector<16xf32>, vector<16xf32>, vector<16xf32>)  : i32 {
      %mul3A_181 = arith.constant 2 : i32
      %mul3A_182 = arith.muli %scan3A_168, %mul3A_181 : i32
      %mul3A_183 = arith.constant 128 : i32
      %mul3A_184 = arith.muli %mul3A_182, %mul3A_183 : i32
      %dma_wait3A = tpu.memref_slice %arg5[%mul3A_184] : memref<2048xi32, #tpu.memory_space<vmem>> -> memref<128xi32, #tpu.memory_space<vmem>>
      %dma_wait3A_185 = arith.constant 0 : i32
      %dma_wait3A_186 = arith.constant 0 : i32
      %dma_wait3A_187 = tpu.memref_slice %arg2[%dma_wait3A_185, %dma_wait3A_186] : memref<2048x128xf32, #tpu.memory_space<hbm>> -> memref<2048x128xf32, #tpu.memory_space<hbm>>
      tpu.wait_indirect_dma semaphore(%arg9 : memref<!tpu.dma_semaphore, #tpu.memory_space<semaphore_mem>>) src(%dma_wait3A_187 : memref<2048x128xf32, #tpu.memory_space<hbm>>) dst(%arg6 : memref<128x128xf32, #tpu.memory_space<vmem>>)
      %add3A_188 = arith.constant 1 : i32
      %add3A_189 = arith.addi %mul3A_182, %add3A_188 : i32
      %mul3A_190 = arith.constant 128 : i32
      %mul3A_191 = arith.muli %add3A_189, %mul3A_190 : i32
      %dma_start3A_192 = tpu.memref_slice %arg5[%mul3A_191] : memref<2048xi32, #tpu.memory_space<vmem>> -> memref<128xi32, #tpu.memory_space<vmem>>
      %dma_start3A_193 = arith.constant 0 : i32
      %dma_start3A_194 = arith.constant 0 : i32
      %dma_start3A_195 = tpu.memref_slice %arg2[%dma_start3A_193, %dma_start3A_194] : memref<2048x128xf32, #tpu.memory_space<hbm>> -> memref<2048x128xf32, #tpu.memory_space<hbm>>
      tpu.enqueue_indirect_dma source(%dma_start3A_195 : memref<2048x128xf32, #tpu.memory_space<hbm>>) target(%arg7 : memref<128x128xf32, #tpu.memory_space<vmem>>) offsets(%dma_start3A_192 : memref<128xi32, #tpu.memory_space<vmem>>) semaphore(%arg10 : memref<!tpu.dma_semaphore, #tpu.memory_space<semaphore_mem>>)
      %scan3A_196 = arith.constant 0 : i32
      %scan3A_197 = arith.constant 128 : i32
      %scan3A_198 = arith.addi %scan3A_196, %scan3A_197 : i32
      %scan3A_199 = arith.constant 1 : i32
      %scan3A_200:12 = scf.for %scan3A_218 = %scan3A_196 to %scan3A_198 step %scan3A_199 iter_args(%scan3A_219 = %scan3A_169, %scan3A_220 = %scan3A_170, %scan3A_221 = %scan3A_171, %scan3A_222 = %scan3A_172, %scan3A_223 = %scan3A_173, %scan3A_224 = %scan3A_174, %scan3A_225 = %scan3A_175, %scan3A_226 = %scan3A_176, %scan3A_227 = %scan3A_177, %scan3A_228 = %scan3A_178, %scan3A_229 = %scan3A_179, %scan3A_230 = %scan3A_180) -> (vector<16xf32>, vector<16xf32>, vector<16xf32>, vector<16xf32>, vector<16xf32>, vector<16xf32>, vector<16xf32>, vector<16xf32>, vector<16xf32>, vector<16xf32>, vector<16xf32>, vector<16xf32>)  : i32 {
        %get3A = arith.index_cast %scan3A_218 : i32 to index
        %get3A_231 = arith.constant 0 : index
        %get3A_232 = tpu.vector_load %arg6[%get3A, %get3A_231] {strides = array<i32>} : memref<128x128xf32, #tpu.memory_space<vmem>>, vector<1x16xf32>,
        %get3A_233 = vector.shape_cast %get3A_232 : vector<1x16xf32> to vector<16xf32>
        %get3A_234 = arith.index_cast %scan3A_218 : i32 to index
        %get3A_235 = arith.constant 16 : index
        %get3A_236 = tpu.vector_load %arg6[%get3A_234, %get3A_235] {strides = array<i32>} : memref<128x128xf32, #tpu.memory_space<vmem>>, vector<1x16xf32>,
        %get3A_237 = vector.shape_cast %get3A_236 : vector<1x16xf32> to vector<16xf32>
        %get3A_238 = arith.index_cast %scan3A_218 : i32 to index
        %get3A_239 = arith.constant 32 : index
        %get3A_240 = tpu.vector_load %arg6[%get3A_238, %get3A_239] {strides = array<i32>} : memref<128x128xf32, #tpu.memory_space<vmem>>, vector<1x16xf32>,
        %get3A_241 = vector.shape_cast %get3A_240 : vector<1x16xf32> to vector<16xf32>
        %get3A_242 = arith.index_cast %scan3A_218 : i32 to index
        %get3A_243 = arith.constant 48 : index
        %get3A_244 = tpu.vector_load %arg6[%get3A_242, %get3A_243] {strides = array<i32>} : memref<128x128xf32, #tpu.memory_space<vmem>>, vector<1x16xf32>,
        %get3A_245 = vector.shape_cast %get3A_244 : vector<1x16xf32> to vector<16xf32>
        %get3A_246 = arith.index_cast %scan3A_218 : i32 to index
        %get3A_247 = arith.constant 64 : index
        %get3A_248 = tpu.vector_load %arg6[%get3A_246, %get3A_247] {strides = array<i32>} : memref<128x128xf32, #tpu.memory_space<vmem>>, vector<1x16xf32>,
        %get3A_249 = vector.shape_cast %get3A_248 : vector<1x16xf32> to vector<16xf32>
        %get3A_250 = arith.index_cast %scan3A_218 : i32 to index
        %get3A_251 = arith.constant 80 : index
        %get3A_252 = tpu.vector_load %arg6[%get3A_250, %get3A_251] {strides = array<i32>} : memref<128x128xf32, #tpu.memory_space<vmem>>, vector<1x16xf32>,
        %get3A_253 = vector.shape_cast %get3A_252 : vector<1x16xf32> to vector<16xf32>
        %mul3A_254 = arith.mulf %get3A_233, %scan3A_219 : vector<16xf32>
        %mul3A_255 = arith.mulf %get3A_241, %scan3A_221 : vector<16xf32>
        %sub3A_256 = arith.subf %mul3A_254, %mul3A_255 : vector<16xf32>
        %mul3A_257 = arith.mulf %get3A_233, %scan3A_221 : vector<16xf32>
        %mul3A_258 = arith.mulf %get3A_241, %scan3A_219 : vector<16xf32>
        %add3A_259 = arith.addf %mul3A_257, %mul3A_258 : vector<16xf32>
        %mul3A_260 = arith.mulf %get3A_237, %scan3A_220 : vector<16xf32>
        %mul3A_261 = arith.mulf %get3A_245, %scan3A_222 : vector<16xf32>
        %sub3A_262 = arith.subf %mul3A_260, %mul3A_261 : vector<16xf32>
        %mul3A_263 = arith.mulf %get3A_237, %scan3A_222 : vector<16xf32>
        %mul3A_264 = arith.mulf %get3A_245, %scan3A_220 : vector<16xf32>
        %add3A_265 = arith.addf %mul3A_263, %mul3A_264 : vector<16xf32>
        %add3A_266 = arith.addf %scan3A_223, %sub3A_256 : vector<16xf32>
        %add3A_267 = arith.addf %scan3A_225, %add3A_259 : vector<16xf32>
        %add3A_268 = arith.addf %scan3A_224, %sub3A_262 : vector<16xf32>
        %add3A_269 = arith.addf %scan3A_226, %add3A_265 : vector<16xf32>
        %mul3A_270 = arith.mulf %sub3A_256, %get3A_249 : vector<16xf32>
        %add3A_271 = arith.addf %scan3A_227, %mul3A_270 : vector<16xf32>
        %mul3A_272 = arith.mulf %add3A_259, %get3A_249 : vector<16xf32>
        %add3A_273 = arith.addf %scan3A_229, %mul3A_272 : vector<16xf32>
        %mul3A_274 = arith.mulf %sub3A_262, %get3A_253 : vector<16xf32>
        %add3A_275 = arith.addf %scan3A_228, %mul3A_274 : vector<16xf32>
        %mul3A_276 = arith.mulf %add3A_265, %get3A_253 : vector<16xf32>
        %add3A_277 = arith.addf %scan3A_230, %mul3A_276 : vector<16xf32>
        %sub3A_278 = arith.subf %scan3A_219, %sub3A_256 : vector<16xf32>
        %sub3A_279 = arith.subf %scan3A_221, %add3A_259 : vector<16xf32>
        %sub3A_280 = arith.subf %scan3A_220, %sub3A_262 : vector<16xf32>
        %sub3A_281 = arith.subf %scan3A_222, %add3A_265 : vector<16xf32>
        scf.yield %sub3A_278, %sub3A_280, %sub3A_279, %sub3A_281, %add3A_266, %add3A_268, %add3A_267, %add3A_269, %add3A_271, %add3A_275, %add3A_273, %add3A_277 : vector<16xf32>, vector<16xf32>, vector<16xf32>, vector<16xf32>, vector<16xf32>, vector<16xf32>, vector<16xf32>, vector<16xf32>, vector<16xf32>, vector<16xf32>, vector<16xf32>, vector<16xf32>
      }
      %scan3A_201 = arith.constant 128 : i32
      %add3A_202 = arith.constant 1 : i32
      %add3A_203 = arith.addi %mul3A_182, %add3A_202 : i32
      %mul3A_204 = arith.constant 128 : i32
      %mul3A_205 = arith.muli %add3A_203, %mul3A_204 : i32
      %dma_wait3A_206 = tpu.memref_slice %arg5[%mul3A_205] : memref<2048xi32, #tpu.memory_space<vmem>> -> memref<128xi32, #tpu.memory_space<vmem>>
      %dma_wait3A_207 = arith.constant 0 : i32
      %dma_wait3A_208 = arith.constant 0 : i32
      %dma_wait3A_209 = tpu.memref_slice %arg2[%dma_wait3A_207, %dma_wait3A_208] : memref<2048x128xf32, #tpu.memory_space<hbm>> -> memref<2048x128xf32, #tpu.memory_space<hbm>>
      tpu.wait_indirect_dma semaphore(%arg10 : memref<!tpu.dma_semaphore, #tpu.memory_space<semaphore_mem>>) src(%dma_wait3A_209 : memref<2048x128xf32, #tpu.memory_space<hbm>>) dst(%arg7 : memref<128x128xf32, #tpu.memory_space<vmem>>)
      %lt3A = arith.constant 7 : i32
      %lt3A_210 = arith.cmpi slt, %scan3A_168, %lt3A : i32
      %convert_element_type3A = arith.extui %lt3A_210 : i1 to i32
      %cond3A = arith.constant 0 : i32
      %cond3A_211 = arith.cmpi ne, %convert_element_type3A, %cond3A : i32
      scf.if %cond3A_211 {
        %add3A_218 = arith.constant 2 : i32
        %add3A_219 = arith.addi %mul3A_182, %add3A_218 : i32
        %mul3A_220 = arith.constant 128 : i32
        %mul3A_221 = arith.muli %add3A_219, %mul3A_220 : i32
        %dma_start3A_222 = tpu.memref_slice %arg5[%mul3A_221] : memref<2048xi32, #tpu.memory_space<vmem>> -> memref<128xi32, #tpu.memory_space<vmem>>
        %dma_start3A_223 = arith.constant 0 : i32
        %dma_start3A_224 = arith.constant 0 : i32
        %dma_start3A_225 = tpu.memref_slice %arg2[%dma_start3A_223, %dma_start3A_224] : memref<2048x128xf32, #tpu.memory_space<hbm>> -> memref<2048x128xf32, #tpu.memory_space<hbm>>
        tpu.enqueue_indirect_dma source(%dma_start3A_225 : memref<2048x128xf32, #tpu.memory_space<hbm>>) target(%arg6 : memref<128x128xf32, #tpu.memory_space<vmem>>) offsets(%dma_start3A_222 : memref<128xi32, #tpu.memory_space<vmem>>) semaphore(%arg9 : memref<!tpu.dma_semaphore, #tpu.memory_space<semaphore_mem>>)
      } else {
      }
      %scan3A_212 = arith.constant 0 : i32
      %scan3A_213 = arith.constant 128 : i32
      %scan3A_214 = arith.addi %scan3A_212, %scan3A_213 : i32
      %scan3A_215 = arith.constant 1 : i32
      %scan3A_216:12 = scf.for %scan3A_218 = %scan3A_212 to %scan3A_214 step %scan3A_215 iter_args(%scan3A_219 = %scan3A_200#0, %scan3A_220 = %scan3A_200#1, %scan3A_221 = %scan3A_200#2, %scan3A_222 = %scan3A_200#3, %scan3A_223 = %scan3A_200#4, %scan3A_224 = %scan3A_200#5, %scan3A_225 = %scan3A_200#6, %scan3A_226 = %scan3A_200#7, %scan3A_227 = %scan3A_200#8, %scan3A_228 = %scan3A_200#9, %scan3A_229 = %scan3A_200#10, %scan3A_230 = %scan3A_200#11) -> (vector<16xf32>, vector<16xf32>, vector<16xf32>, vector<16xf32>, vector<16xf32>, vector<16xf32>, vector<16xf32>, vector<16xf32>, vector<16xf32>, vector<16xf32>, vector<16xf32>, vector<16xf32>)  : i32 {
        %get3A = arith.index_cast %scan3A_218 : i32 to index
        %get3A_231 = arith.constant 0 : index
        %get3A_232 = tpu.vector_load %arg7[%get3A, %get3A_231] {strides = array<i32>} : memref<128x128xf32, #tpu.memory_space<vmem>>, vector<1x16xf32>,
        %get3A_233 = vector.shape_cast %get3A_232 : vector<1x16xf32> to vector<16xf32>
        %get3A_234 = arith.index_cast %scan3A_218 : i32 to index
        %get3A_235 = arith.constant 16 : index
        %get3A_236 = tpu.vector_load %arg7[%get3A_234, %get3A_235] {strides = array<i32>} : memref<128x128xf32, #tpu.memory_space<vmem>>, vector<1x16xf32>,
        %get3A_237 = vector.shape_cast %get3A_236 : vector<1x16xf32> to vector<16xf32>
        %get3A_238 = arith.index_cast %scan3A_218 : i32 to index
        %get3A_239 = arith.constant 32 : index
        %get3A_240 = tpu.vector_load %arg7[%get3A_238, %get3A_239] {strides = array<i32>} : memref<128x128xf32, #tpu.memory_space<vmem>>, vector<1x16xf32>,
        %get3A_241 = vector.shape_cast %get3A_240 : vector<1x16xf32> to vector<16xf32>
        %get3A_242 = arith.index_cast %scan3A_218 : i32 to index
        %get3A_243 = arith.constant 48 : index
        %get3A_244 = tpu.vector_load %arg7[%get3A_242, %get3A_243] {strides = array<i32>} : memref<128x128xf32, #tpu.memory_space<vmem>>, vector<1x16xf32>,
        %get3A_245 = vector.shape_cast %get3A_244 : vector<1x16xf32> to vector<16xf32>
        %get3A_246 = arith.index_cast %scan3A_218 : i32 to index
        %get3A_247 = arith.constant 64 : index
        %get3A_248 = tpu.vector_load %arg7[%get3A_246, %get3A_247] {strides = array<i32>} : memref<128x128xf32, #tpu.memory_space<vmem>>, vector<1x16xf32>,
        %get3A_249 = vector.shape_cast %get3A_248 : vector<1x16xf32> to vector<16xf32>
        %get3A_250 = arith.index_cast %scan3A_218 : i32 to index
        %get3A_251 = arith.constant 80 : index
        %get3A_252 = tpu.vector_load %arg7[%get3A_250, %get3A_251] {strides = array<i32>} : memref<128x128xf32, #tpu.memory_space<vmem>>, vector<1x16xf32>,
        %get3A_253 = vector.shape_cast %get3A_252 : vector<1x16xf32> to vector<16xf32>
        %mul3A_254 = arith.mulf %get3A_233, %scan3A_219 : vector<16xf32>
        %mul3A_255 = arith.mulf %get3A_241, %scan3A_221 : vector<16xf32>
        %sub3A_256 = arith.subf %mul3A_254, %mul3A_255 : vector<16xf32>
        %mul3A_257 = arith.mulf %get3A_233, %scan3A_221 : vector<16xf32>
        %mul3A_258 = arith.mulf %get3A_241, %scan3A_219 : vector<16xf32>
        %add3A_259 = arith.addf %mul3A_257, %mul3A_258 : vector<16xf32>
        %mul3A_260 = arith.mulf %get3A_237, %scan3A_220 : vector<16xf32>
        %mul3A_261 = arith.mulf %get3A_245, %scan3A_222 : vector<16xf32>
        %sub3A_262 = arith.subf %mul3A_260, %mul3A_261 : vector<16xf32>
        %mul3A_263 = arith.mulf %get3A_237, %scan3A_222 : vector<16xf32>
        %mul3A_264 = arith.mulf %get3A_245, %scan3A_220 : vector<16xf32>
        %add3A_265 = arith.addf %mul3A_263, %mul3A_264 : vector<16xf32>
        %add3A_266 = arith.addf %scan3A_223, %sub3A_256 : vector<16xf32>
        %add3A_267 = arith.addf %scan3A_225, %add3A_259 : vector<16xf32>
        %add3A_268 = arith.addf %scan3A_224, %sub3A_262 : vector<16xf32>
        %add3A_269 = arith.addf %scan3A_226, %add3A_265 : vector<16xf32>
        %mul3A_270 = arith.mulf %sub3A_256, %get3A_249 : vector<16xf32>
        %add3A_271 = arith.addf %scan3A_227, %mul3A_270 : vector<16xf32>
        %mul3A_272 = arith.mulf %add3A_259, %get3A_249 : vector<16xf32>
        %add3A_273 = arith.addf %scan3A_229, %mul3A_272 : vector<16xf32>
        %mul3A_274 = arith.mulf %sub3A_262, %get3A_253 : vector<16xf32>
        %add3A_275 = arith.addf %scan3A_228, %mul3A_274 : vector<16xf32>
        %mul3A_276 = arith.mulf %add3A_265, %get3A_253 : vector<16xf32>
        %add3A_277 = arith.addf %scan3A_230, %mul3A_276 : vector<16xf32>
        %sub3A_278 = arith.subf %scan3A_219, %sub3A_256 : vector<16xf32>
        %sub3A_279 = arith.subf %scan3A_221, %add3A_259 : vector<16xf32>
        %sub3A_280 = arith.subf %scan3A_220, %sub3A_262 : vector<16xf32>
        %sub3A_281 = arith.subf %scan3A_222, %add3A_265 : vector<16xf32>
        scf.yield %sub3A_278, %sub3A_280, %sub3A_279, %sub3A_281, %add3A_266, %add3A_268, %add3A_267, %add3A_269, %add3A_271, %add3A_275, %add3A_273, %add3A_277 : vector<16xf32>, vector<16xf32>, vector<16xf32>, vector<16xf32>, vector<16xf32>, vector<16xf32>, vector<16xf32>, vector<16xf32>, vector<16xf32>, vector<16xf32>, vector<16xf32>, vector<16xf32>
      }
      %scan3A_217 = arith.constant 128 : i32
      scf.yield %scan3A_216#0, %scan3A_216#1, %scan3A_216#2, %scan3A_216#3, %scan3A_216#4, %scan3A_216#5, %scan3A_216#6, %scan3A_216#7, %scan3A_216#8, %scan3A_216#9, %scan3A_216#10, %scan3A_216#11 : vector<16xf32>, vector<16xf32>, vector<16xf32>, vector<16xf32>, vector<16xf32>, vector<16xf32>, vector<16xf32>, vector<16xf32>, vector<16xf32>, vector<16xf32>, vector<16xf32>, vector<16xf32>
    }
    %scan3A_16 = arith.constant 8 : i32
    %add3A_17 = arith.constant 1.000000e+00 : f32
    %add3A_18 = vector.broadcast %add3A_17 : f32 to vector<16xf32>
    %add3A_19 = arith.addf %scan3A_15#8, %add3A_18 : vector<16xf32>
    %sub3A = arith.subf %add3A_19, %scan3A_15#4 : vector<16xf32>
    %add3A_20 = arith.constant 1.000000e+00 : f32
    %add3A_21 = vector.broadcast %add3A_20 : f32 to vector<16xf32>
    %add3A_22 = arith.addf %scan3A_15#9, %add3A_21 : vector<16xf32>
    %sub3A_23 = arith.subf %add3A_22, %scan3A_15#5 : vector<16xf32>
    %sub3A_24 = arith.subf %scan3A_15#10, %scan3A_15#6 : vector<16xf32>
    %sub3A_25 = arith.subf %scan3A_15#11, %scan3A_15#7 : vector<16xf32>
    %mul3A_26 = arith.mulf %sub3A, %sub3A : vector<16xf32>
    %mul3A_27 = arith.mulf %sub3A_24, %sub3A_24 : vector<16xf32>
    %add3A_28 = arith.addf %mul3A_26, %mul3A_27 : vector<16xf32>
    %swap3A = arith.constant 0 : index
    %swap3A_29 = tpu.vector_load %arg8[%swap3A] {strides = array<i32>} : memref<32xf32, #tpu.memory_space<vmem>>, vector<16xf32>,
    %swap3A_30 = vector.shape_cast %swap3A_29 : vector<16xf32> to vector<16xf32>
    %swap3A_31 = vector.shape_cast %add3A_28 : vector<16xf32> to vector<16xf32>
    tpu.vector_store %arg8[%swap3A], %swap3A_31 {strides = array<i32>} : memref<32xf32, #tpu.memory_space<vmem>>, vector<16xf32>,
    %mul3A_32 = arith.mulf %sub3A_23, %sub3A_23 : vector<16xf32>
    %mul3A_33 = arith.mulf %sub3A_25, %sub3A_25 : vector<16xf32>
    %add3A_34 = arith.addf %mul3A_32, %mul3A_33 : vector<16xf32>
    %swap3A_35 = arith.constant 16 : index
    %swap3A_36 = tpu.vector_load %arg8[%swap3A_35] {strides = array<i32>} : memref<32xf32, #tpu.memory_space<vmem>>, vector<16xf32>,
    %swap3A_37 = vector.shape_cast %swap3A_36 : vector<16xf32> to vector<16xf32>
    %swap3A_38 = vector.shape_cast %add3A_34 : vector<16xf32> to vector<16xf32>
    tpu.vector_store %arg8[%swap3A_35], %swap3A_38 {strides = array<i32>} : memref<32xf32, #tpu.memory_space<vmem>>, vector<16xf32>,
    "tpu.region"() ({
      %run_scoped3A = tpu.sem_alloc : memref<!tpu.dma_semaphore, #tpu.memory_space<semaphore_mem>>
      %dma_start3A_168 = arith.constant 0 : i32
      %dma_start3A_169 = tpu.memref_slice %arg4[%add3A_4, %dma_start3A_168] : memref<128x32xf32, #tpu.memory_space<hbm>> -> memref<1x32xf32, #tpu.memory_space<hbm>>
      %dma_start3A_170 = tpu.memref_squeeze %dma_start3A_169 : memref<1x32xf32, #tpu.memory_space<hbm>> -> memref<32xf32, #tpu.memory_space<hbm>>
      %dma_start3A_171 = arith.constant 0 : i32
      %dma_start3A_172 = tpu.memref_slice %arg4[%add3A_4, %dma_start3A_171] : memref<128x32xf32, #tpu.memory_space<hbm>> -> memref<1x32xf32, #tpu.memory_space<hbm>>
      %dma_start3A_173 = tpu.memref_squeeze %dma_start3A_172 : memref<1x32xf32, #tpu.memory_space<hbm>> -> memref<32xf32, #tpu.memory_space<hbm>>
      tpu.enqueue_dma source(%arg8 : memref<32xf32, #tpu.memory_space<vmem>>) target(%dma_start3A_173 : memref<32xf32, #tpu.memory_space<hbm>>) target_semaphore(%run_scoped3A : memref<!tpu.dma_semaphore, #tpu.memory_space<semaphore_mem>>)
      %dma_wait3A = arith.constant 0 : i32
      %dma_wait3A_174 = tpu.memref_slice %arg4[%add3A_4, %dma_wait3A] : memref<128x32xf32, #tpu.memory_space<hbm>> -> memref<1x32xf32, #tpu.memory_space<hbm>>
      %dma_wait3A_175 = tpu.memref_squeeze %dma_wait3A_174 : memref<1x32xf32, #tpu.memory_space<hbm>> -> memref<32xf32, #tpu.memory_space<hbm>>
      %dma_wait3A_176 = arith.constant 0 : i32
      %dma_wait3A_177 = tpu.memref_slice %arg4[%add3A_4, %dma_wait3A_176] : memref<128x32xf32, #tpu.memory_space<hbm>> -> memref<1x32xf32, #tpu.memory_space<hbm>>
      %dma_wait3A_178 = tpu.memref_squeeze %dma_wait3A_177 : memref<1x32xf32, #tpu.memory_space<hbm>> -> memref<32xf32, #tpu.memory_space<hbm>>
      tpu.wait_dma2 semaphore(%run_scoped3A : memref<!tpu.dma_semaphore, #tpu.memory_space<semaphore_mem>>) src(%arg8 : memref<32xf32, #tpu.memory_space<vmem>>) dst(%dma_wait3A_178 : memref<32xf32, #tpu.memory_space<hbm>>)
      tpu.yield
    }) : () -> ()
    %mul3A_39 = arith.constant 4 : i32
    %mul3A_40 = arith.muli %add3A, %mul3A_39 : i32
    %add3A_41 = arith.constant 1 : i32
    %add3A_42 = arith.addi %mul3A_40, %add3A_41 : i32
    "tpu.region"() ({
      %run_scoped3A = tpu.sem_alloc : memref<!tpu.dma_semaphore, #tpu.memory_space<semaphore_mem>>
      %dma_start3A_168 = arith.constant 0 : i32
      %dma_start3A_169 = tpu.memref_slice %arg3[%add3A_42, %dma_start3A_168] : memref<128x2048xi32, #tpu.memory_space<hbm>> -> memref<1x2048xi32, #tpu.memory_space<hbm>>
      %dma_start3A_170 = tpu.memref_squeeze %dma_start3A_169 : memref<1x2048xi32, #tpu.memory_space<hbm>> -> memref<2048xi32, #tpu.memory_space<hbm>>
      %dma_start3A_171 = arith.constant 0 : i32
      %dma_start3A_172 = tpu.memref_slice %arg3[%add3A_42, %dma_start3A_171] : memref<128x2048xi32, #tpu.memory_space<hbm>> -> memref<1x2048xi32, #tpu.memory_space<hbm>>
      %dma_start3A_173 = tpu.memref_squeeze %dma_start3A_172 : memref<1x2048xi32, #tpu.memory_space<hbm>> -> memref<2048xi32, #tpu.memory_space<hbm>>
      tpu.enqueue_dma source(%dma_start3A_173 : memref<2048xi32, #tpu.memory_space<hbm>>) target(%arg5 : memref<2048xi32, #tpu.memory_space<vmem>>) target_semaphore(%run_scoped3A : memref<!tpu.dma_semaphore, #tpu.memory_space<semaphore_mem>>)
      %dma_wait3A = arith.constant 0 : i32
      %dma_wait3A_174 = tpu.memref_slice %arg3[%add3A_42, %dma_wait3A] : memref<128x2048xi32, #tpu.memory_space<hbm>> -> memref<1x2048xi32, #tpu.memory_space<hbm>>
      %dma_wait3A_175 = tpu.memref_squeeze %dma_wait3A_174 : memref<1x2048xi32, #tpu.memory_space<hbm>> -> memref<2048xi32, #tpu.memory_space<hbm>>
      %dma_wait3A_176 = arith.constant 0 : i32
      %dma_wait3A_177 = tpu.memref_slice %arg3[%add3A_42, %dma_wait3A_176] : memref<128x2048xi32, #tpu.memory_space<hbm>> -> memref<1x2048xi32, #tpu.memory_space<hbm>>
      %dma_wait3A_178 = tpu.memref_squeeze %dma_wait3A_177 : memref<1x2048xi32, #tpu.memory_space<hbm>> -> memref<2048xi32, #tpu.memory_space<hbm>>
      tpu.wait_dma2 semaphore(%run_scoped3A : memref<!tpu.dma_semaphore, #tpu.memory_space<semaphore_mem>>) src(%dma_wait3A_178 : memref<2048xi32, #tpu.memory_space<hbm>>) dst(%arg5 : memref<2048xi32, #tpu.memory_space<vmem>>)
      tpu.yield
    }) : () -> ()
    %dma_start3A_43 = arith.constant 0 : i32
    %dma_start3A_44 = tpu.memref_slice %arg5[%dma_start3A_43] : memref<2048xi32, #tpu.memory_space<vmem>> -> memref<128xi32, #tpu.memory_space<vmem>>
    %dma_start3A_45 = arith.constant 0 : i32
    %dma_start3A_46 = arith.constant 0 : i32
    %dma_start3A_47 = tpu.memref_slice %arg2[%dma_start3A_45, %dma_start3A_46] : memref<2048x128xf32, #tpu.memory_space<hbm>> -> memref<2048x128xf32, #tpu.memory_space<hbm>>
    tpu.enqueue_indirect_dma source(%dma_start3A_47 : memref<2048x128xf32, #tpu.memory_space<hbm>>) target(%arg6 : memref<128x128xf32, #tpu.memory_space<vmem>>) offsets(%dma_start3A_44 : memref<128xi32, #tpu.memory_space<vmem>>) semaphore(%arg9 : memref<!tpu.dma_semaphore, #tpu.memory_space<semaphore_mem>>)
    %broadcast_in_dim3A_48 = arith.constant 1.000000e+00 : f32
    %broadcast_in_dim3A_49 = vector.broadcast %broadcast_in_dim3A_48 : f32 to vector<16xf32>
    %broadcast_in_dim3A_50 = arith.constant 0.000000e+00 : f32
    %broadcast_in_dim3A_51 = vector.broadcast %broadcast_in_dim3A_50 : f32 to vector<16xf32>
    %scan3A_52 = arith.constant 0 : i32
    %scan3A_53 = arith.constant 8 : i32
    %scan3A_54 = arith.addi %scan3A_52, %scan3A_53 : i32
    %scan3A_55 = arith.constant 1 : i32
    %scan3A_56:12 = scf.for %scan3A_168 = %scan3A_52 to %scan3A_54 step %scan3A_55 iter_args(%scan3A_169 = %broadcast_in_dim3A_49, %scan3A_170 = %broadcast_in_dim3A_49, %scan3A_171 = %broadcast_in_dim3A_51, %scan3A_172 = %broadcast_in_dim3A_51, %scan3A_173 = %broadcast_in_dim3A_51, %scan3A_174 = %broadcast_in_dim3A_51, %scan3A_175 = %broadcast_in_dim3A_51, %scan3A_176 = %broadcast_in_dim3A_51, %scan3A_177 = %broadcast_in_dim3A_51, %scan3A_178 = %broadcast_in_dim3A_51, %scan3A_179 = %broadcast_in_dim3A_51, %scan3A_180 = %broadcast_in_dim3A_51) -> (vector<16xf32>, vector<16xf32>, vector<16xf32>, vector<16xf32>, vector<16xf32>, vector<16xf32>, vector<16xf32>, vector<16xf32>, vector<16xf32>, vector<16xf32>, vector<16xf32>, vector<16xf32>)  : i32 {
      %mul3A_181 = arith.constant 2 : i32
      %mul3A_182 = arith.muli %scan3A_168, %mul3A_181 : i32
      %mul3A_183 = arith.constant 128 : i32
      %mul3A_184 = arith.muli %mul3A_182, %mul3A_183 : i32
      %dma_wait3A = tpu.memref_slice %arg5[%mul3A_184] : memref<2048xi32, #tpu.memory_space<vmem>> -> memref<128xi32, #tpu.memory_space<vmem>>
      %dma_wait3A_185 = arith.constant 0 : i32
      %dma_wait3A_186 = arith.constant 0 : i32
      %dma_wait3A_187 = tpu.memref_slice %arg2[%dma_wait3A_185, %dma_wait3A_186] : memref<2048x128xf32, #tpu.memory_space<hbm>> -> memref<2048x128xf32, #tpu.memory_space<hbm>>
      tpu.wait_indirect_dma semaphore(%arg9 : memref<!tpu.dma_semaphore, #tpu.memory_space<semaphore_mem>>) src(%dma_wait3A_187 : memref<2048x128xf32, #tpu.memory_space<hbm>>) dst(%arg6 : memref<128x128xf32, #tpu.memory_space<vmem>>)
      %add3A_188 = arith.constant 1 : i32
      %add3A_189 = arith.addi %mul3A_182, %add3A_188 : i32
      %mul3A_190 = arith.constant 128 : i32
      %mul3A_191 = arith.muli %add3A_189, %mul3A_190 : i32
      %dma_start3A_192 = tpu.memref_slice %arg5[%mul3A_191] : memref<2048xi32, #tpu.memory_space<vmem>> -> memref<128xi32, #tpu.memory_space<vmem>>
      %dma_start3A_193 = arith.constant 0 : i32
      %dma_start3A_194 = arith.constant 0 : i32
      %dma_start3A_195 = tpu.memref_slice %arg2[%dma_start3A_193, %dma_start3A_194] : memref<2048x128xf32, #tpu.memory_space<hbm>> -> memref<2048x128xf32, #tpu.memory_space<hbm>>
      tpu.enqueue_indirect_dma source(%dma_start3A_195 : memref<2048x128xf32, #tpu.memory_space<hbm>>) target(%arg7 : memref<128x128xf32, #tpu.memory_space<vmem>>) offsets(%dma_start3A_192 : memref<128xi32, #tpu.memory_space<vmem>>) semaphore(%arg10 : memref<!tpu.dma_semaphore, #tpu.memory_space<semaphore_mem>>)
      %scan3A_196 = arith.constant 0 : i32
      %scan3A_197 = arith.constant 128 : i32
      %scan3A_198 = arith.addi %scan3A_196, %scan3A_197 : i32
      %scan3A_199 = arith.constant 1 : i32
      %scan3A_200:12 = scf.for %scan3A_218 = %scan3A_196 to %scan3A_198 step %scan3A_199 iter_args(%scan3A_219 = %scan3A_169, %scan3A_220 = %scan3A_170, %scan3A_221 = %scan3A_171, %scan3A_222 = %scan3A_172, %scan3A_223 = %scan3A_173, %scan3A_224 = %scan3A_174, %scan3A_225 = %scan3A_175, %scan3A_226 = %scan3A_176, %scan3A_227 = %scan3A_177, %scan3A_228 = %scan3A_178, %scan3A_229 = %scan3A_179, %scan3A_230 = %scan3A_180) -> (vector<16xf32>, vector<16xf32>, vector<16xf32>, vector<16xf32>, vector<16xf32>, vector<16xf32>, vector<16xf32>, vector<16xf32>, vector<16xf32>, vector<16xf32>, vector<16xf32>, vector<16xf32>)  : i32 {
        %get3A = arith.index_cast %scan3A_218 : i32 to index
        %get3A_231 = arith.constant 0 : index
        %get3A_232 = tpu.vector_load %arg6[%get3A, %get3A_231] {strides = array<i32>} : memref<128x128xf32, #tpu.memory_space<vmem>>, vector<1x16xf32>,
        %get3A_233 = vector.shape_cast %get3A_232 : vector<1x16xf32> to vector<16xf32>
        %get3A_234 = arith.index_cast %scan3A_218 : i32 to index
        %get3A_235 = arith.constant 16 : index
        %get3A_236 = tpu.vector_load %arg6[%get3A_234, %get3A_235] {strides = array<i32>} : memref<128x128xf32, #tpu.memory_space<vmem>>, vector<1x16xf32>,
        %get3A_237 = vector.shape_cast %get3A_236 : vector<1x16xf32> to vector<16xf32>
        %get3A_238 = arith.index_cast %scan3A_218 : i32 to index
        %get3A_239 = arith.constant 32 : index
        %get3A_240 = tpu.vector_load %arg6[%get3A_238, %get3A_239] {strides = array<i32>} : memref<128x128xf32, #tpu.memory_space<vmem>>, vector<1x16xf32>,
        %get3A_241 = vector.shape_cast %get3A_240 : vector<1x16xf32> to vector<16xf32>
        %get3A_242 = arith.index_cast %scan3A_218 : i32 to index
        %get3A_243 = arith.constant 48 : index
        %get3A_244 = tpu.vector_load %arg6[%get3A_242, %get3A_243] {strides = array<i32>} : memref<128x128xf32, #tpu.memory_space<vmem>>, vector<1x16xf32>,
        %get3A_245 = vector.shape_cast %get3A_244 : vector<1x16xf32> to vector<16xf32>
        %get3A_246 = arith.index_cast %scan3A_218 : i32 to index
        %get3A_247 = arith.constant 64 : index
        %get3A_248 = tpu.vector_load %arg6[%get3A_246, %get3A_247] {strides = array<i32>} : memref<128x128xf32, #tpu.memory_space<vmem>>, vector<1x16xf32>,
        %get3A_249 = vector.shape_cast %get3A_248 : vector<1x16xf32> to vector<16xf32>
        %get3A_250 = arith.index_cast %scan3A_218 : i32 to index
        %get3A_251 = arith.constant 80 : index
        %get3A_252 = tpu.vector_load %arg6[%get3A_250, %get3A_251] {strides = array<i32>} : memref<128x128xf32, #tpu.memory_space<vmem>>, vector<1x16xf32>,
        %get3A_253 = vector.shape_cast %get3A_252 : vector<1x16xf32> to vector<16xf32>
        %mul3A_254 = arith.mulf %get3A_233, %scan3A_219 : vector<16xf32>
        %mul3A_255 = arith.mulf %get3A_241, %scan3A_221 : vector<16xf32>
        %sub3A_256 = arith.subf %mul3A_254, %mul3A_255 : vector<16xf32>
        %mul3A_257 = arith.mulf %get3A_233, %scan3A_221 : vector<16xf32>
        %mul3A_258 = arith.mulf %get3A_241, %scan3A_219 : vector<16xf32>
        %add3A_259 = arith.addf %mul3A_257, %mul3A_258 : vector<16xf32>
        %mul3A_260 = arith.mulf %get3A_237, %scan3A_220 : vector<16xf32>
        %mul3A_261 = arith.mulf %get3A_245, %scan3A_222 : vector<16xf32>
        %sub3A_262 = arith.subf %mul3A_260, %mul3A_261 : vector<16xf32>
        %mul3A_263 = arith.mulf %get3A_237, %scan3A_222 : vector<16xf32>
        %mul3A_264 = arith.mulf %get3A_245, %scan3A_220 : vector<16xf32>
        %add3A_265 = arith.addf %mul3A_263, %mul3A_264 : vector<16xf32>
        %add3A_266 = arith.addf %scan3A_223, %sub3A_256 : vector<16xf32>
        %add3A_267 = arith.addf %scan3A_225, %add3A_259 : vector<16xf32>
        %add3A_268 = arith.addf %scan3A_224, %sub3A_262 : vector<16xf32>
        %add3A_269 = arith.addf %scan3A_226, %add3A_265 : vector<16xf32>
        %mul3A_270 = arith.mulf %sub3A_256, %get3A_249 : vector<16xf32>
        %add3A_271 = arith.addf %scan3A_227, %mul3A_270 : vector<16xf32>
        %mul3A_272 = arith.mulf %add3A_259, %get3A_249 : vector<16xf32>
        %add3A_273 = arith.addf %scan3A_229, %mul3A_272 : vector<16xf32>
        %mul3A_274 = arith.mulf %sub3A_262, %get3A_253 : vector<16xf32>
        %add3A_275 = arith.addf %scan3A_228, %mul3A_274 : vector<16xf32>
        %mul3A_276 = arith.mulf %add3A_265, %get3A_253 : vector<16xf32>
        %add3A_277 = arith.addf %scan3A_230, %mul3A_276 : vector<16xf32>
        %sub3A_278 = arith.subf %scan3A_219, %sub3A_256 : vector<16xf32>
        %sub3A_279 = arith.subf %scan3A_221, %add3A_259 : vector<16xf32>
        %sub3A_280 = arith.subf %scan3A_220, %sub3A_262 : vector<16xf32>
        %sub3A_281 = arith.subf %scan3A_222, %add3A_265 : vector<16xf32>
        scf.yield %sub3A_278, %sub3A_280, %sub3A_279, %sub3A_281, %add3A_266, %add3A_268, %add3A_267, %add3A_269, %add3A_271, %add3A_275, %add3A_273, %add3A_277 : vector<16xf32>, vector<16xf32>, vector<16xf32>, vector<16xf32>, vector<16xf32>, vector<16xf32>, vector<16xf32>, vector<16xf32>, vector<16xf32>, vector<16xf32>, vector<16xf32>, vector<16xf32>
      }
      %scan3A_201 = arith.constant 128 : i32
      %add3A_202 = arith.constant 1 : i32
      %add3A_203 = arith.addi %mul3A_182, %add3A_202 : i32
      %mul3A_204 = arith.constant 128 : i32
      %mul3A_205 = arith.muli %add3A_203, %mul3A_204 : i32
      %dma_wait3A_206 = tpu.memref_slice %arg5[%mul3A_205] : memref<2048xi32, #tpu.memory_space<vmem>> -> memref<128xi32, #tpu.memory_space<vmem>>
      %dma_wait3A_207 = arith.constant 0 : i32
      %dma_wait3A_208 = arith.constant 0 : i32
      %dma_wait3A_209 = tpu.memref_slice %arg2[%dma_wait3A_207, %dma_wait3A_208] : memref<2048x128xf32, #tpu.memory_space<hbm>> -> memref<2048x128xf32, #tpu.memory_space<hbm>>
      tpu.wait_indirect_dma semaphore(%arg10 : memref<!tpu.dma_semaphore, #tpu.memory_space<semaphore_mem>>) src(%dma_wait3A_209 : memref<2048x128xf32, #tpu.memory_space<hbm>>) dst(%arg7 : memref<128x128xf32, #tpu.memory_space<vmem>>)
      %lt3A = arith.constant 7 : i32
      %lt3A_210 = arith.cmpi slt, %scan3A_168, %lt3A : i32
      %convert_element_type3A = arith.extui %lt3A_210 : i1 to i32
      %cond3A = arith.constant 0 : i32
      %cond3A_211 = arith.cmpi ne, %convert_element_type3A, %cond3A : i32
      scf.if %cond3A_211 {
        %add3A_218 = arith.constant 2 : i32
        %add3A_219 = arith.addi %mul3A_182, %add3A_218 : i32
        %mul3A_220 = arith.constant 128 : i32
        %mul3A_221 = arith.muli %add3A_219, %mul3A_220 : i32
        %dma_start3A_222 = tpu.memref_slice %arg5[%mul3A_221] : memref<2048xi32, #tpu.memory_space<vmem>> -> memref<128xi32, #tpu.memory_space<vmem>>
        %dma_start3A_223 = arith.constant 0 : i32
        %dma_start3A_224 = arith.constant 0 : i32
        %dma_start3A_225 = tpu.memref_slice %arg2[%dma_start3A_223, %dma_start3A_224] : memref<2048x128xf32, #tpu.memory_space<hbm>> -> memref<2048x128xf32, #tpu.memory_space<hbm>>
        tpu.enqueue_indirect_dma source(%dma_start3A_225 : memref<2048x128xf32, #tpu.memory_space<hbm>>) target(%arg6 : memref<128x128xf32, #tpu.memory_space<vmem>>) offsets(%dma_start3A_222 : memref<128xi32, #tpu.memory_space<vmem>>) semaphore(%arg9 : memref<!tpu.dma_semaphore, #tpu.memory_space<semaphore_mem>>)
      } else {
      }
      %scan3A_212 = arith.constant 0 : i32
      %scan3A_213 = arith.constant 128 : i32
      %scan3A_214 = arith.addi %scan3A_212, %scan3A_213 : i32
      %scan3A_215 = arith.constant 1 : i32
      %scan3A_216:12 = scf.for %scan3A_218 = %scan3A_212 to %scan3A_214 step %scan3A_215 iter_args(%scan3A_219 = %scan3A_200#0, %scan3A_220 = %scan3A_200#1, %scan3A_221 = %scan3A_200#2, %scan3A_222 = %scan3A_200#3, %scan3A_223 = %scan3A_200#4, %scan3A_224 = %scan3A_200#5, %scan3A_225 = %scan3A_200#6, %scan3A_226 = %scan3A_200#7, %scan3A_227 = %scan3A_200#8, %scan3A_228 = %scan3A_200#9, %scan3A_229 = %scan3A_200#10, %scan3A_230 = %scan3A_200#11) -> (vector<16xf32>, vector<16xf32>, vector<16xf32>, vector<16xf32>, vector<16xf32>, vector<16xf32>, vector<16xf32>, vector<16xf32>, vector<16xf32>, vector<16xf32>, vector<16xf32>, vector<16xf32>)  : i32 {
        %get3A = arith.index_cast %scan3A_218 : i32 to index
        %get3A_231 = arith.constant 0 : index
        %get3A_232 = tpu.vector_load %arg7[%get3A, %get3A_231] {strides = array<i32>} : memref<128x128xf32, #tpu.memory_space<vmem>>, vector<1x16xf32>,
        %get3A_233 = vector.shape_cast %get3A_232 : vector<1x16xf32> to vector<16xf32>
        %get3A_234 = arith.index_cast %scan3A_218 : i32 to index
        %get3A_235 = arith.constant 16 : index
        %get3A_236 = tpu.vector_load %arg7[%get3A_234, %get3A_235] {strides = array<i32>} : memref<128x128xf32, #tpu.memory_space<vmem>>, vector<1x16xf32>,
        %get3A_237 = vector.shape_cast %get3A_236 : vector<1x16xf32> to vector<16xf32>
        %get3A_238 = arith.index_cast %scan3A_218 : i32 to index
        %get3A_239 = arith.constant 32 : index
        %get3A_240 = tpu.vector_load %arg7[%get3A_238, %get3A_239] {strides = array<i32>} : memref<128x128xf32, #tpu.memory_space<vmem>>, vector<1x16xf32>,
        %get3A_241 = vector.shape_cast %get3A_240 : vector<1x16xf32> to vector<16xf32>
        %get3A_242 = arith.index_cast %scan3A_218 : i32 to index
        %get3A_243 = arith.constant 48 : index
        %get3A_244 = tpu.vector_load %arg7[%get3A_242, %get3A_243] {strides = array<i32>} : memref<128x128xf32, #tpu.memory_space<vmem>>, vector<1x16xf32>,
        %get3A_245 = vector.shape_cast %get3A_244 : vector<1x16xf32> to vector<16xf32>
        %get3A_246 = arith.index_cast %scan3A_218 : i32 to index
        %get3A_247 = arith.constant 64 : index
        %get3A_248 = tpu.vector_load %arg7[%get3A_246, %get3A_247] {strides = array<i32>} : memref<128x128xf32, #tpu.memory_space<vmem>>, vector<1x16xf32>,
        %get3A_249 = vector.shape_cast %get3A_248 : vector<1x16xf32> to vector<16xf32>
        %get3A_250 = arith.index_cast %scan3A_218 : i32 to index
        %get3A_251 = arith.constant 80 : index
        %get3A_252 = tpu.vector_load %arg7[%get3A_250, %get3A_251] {strides = array<i32>} : memref<128x128xf32, #tpu.memory_space<vmem>>, vector<1x16xf32>,
        %get3A_253 = vector.shape_cast %get3A_252 : vector<1x16xf32> to vector<16xf32>
        %mul3A_254 = arith.mulf %get3A_233, %scan3A_219 : vector<16xf32>
        %mul3A_255 = arith.mulf %get3A_241, %scan3A_221 : vector<16xf32>
        %sub3A_256 = arith.subf %mul3A_254, %mul3A_255 : vector<16xf32>
        %mul3A_257 = arith.mulf %get3A_233, %scan3A_221 : vector<16xf32>
        %mul3A_258 = arith.mulf %get3A_241, %scan3A_219 : vector<16xf32>
        %add3A_259 = arith.addf %mul3A_257, %mul3A_258 : vector<16xf32>
        %mul3A_260 = arith.mulf %get3A_237, %scan3A_220 : vector<16xf32>
        %mul3A_261 = arith.mulf %get3A_245, %scan3A_222 : vector<16xf32>
        %sub3A_262 = arith.subf %mul3A_260, %mul3A_261 : vector<16xf32>
        %mul3A_263 = arith.mulf %get3A_237, %scan3A_222 : vector<16xf32>
        %mul3A_264 = arith.mulf %get3A_245, %scan3A_220 : vector<16xf32>
        %add3A_265 = arith.addf %mul3A_263, %mul3A_264 : vector<16xf32>
        %add3A_266 = arith.addf %scan3A_223, %sub3A_256 : vector<16xf32>
        %add3A_267 = arith.addf %scan3A_225, %add3A_259 : vector<16xf32>
        %add3A_268 = arith.addf %scan3A_224, %sub3A_262 : vector<16xf32>
        %add3A_269 = arith.addf %scan3A_226, %add3A_265 : vector<16xf32>
        %mul3A_270 = arith.mulf %sub3A_256, %get3A_249 : vector<16xf32>
        %add3A_271 = arith.addf %scan3A_227, %mul3A_270 : vector<16xf32>
        %mul3A_272 = arith.mulf %add3A_259, %get3A_249 : vector<16xf32>
        %add3A_273 = arith.addf %scan3A_229, %mul3A_272 : vector<16xf32>
        %mul3A_274 = arith.mulf %sub3A_262, %get3A_253 : vector<16xf32>
        %add3A_275 = arith.addf %scan3A_228, %mul3A_274 : vector<16xf32>
        %mul3A_276 = arith.mulf %add3A_265, %get3A_253 : vector<16xf32>
        %add3A_277 = arith.addf %scan3A_230, %mul3A_276 : vector<16xf32>
        %sub3A_278 = arith.subf %scan3A_219, %sub3A_256 : vector<16xf32>
        %sub3A_279 = arith.subf %scan3A_221, %add3A_259 : vector<16xf32>
        %sub3A_280 = arith.subf %scan3A_220, %sub3A_262 : vector<16xf32>
        %sub3A_281 = arith.subf %scan3A_222, %add3A_265 : vector<16xf32>
        scf.yield %sub3A_278, %sub3A_280, %sub3A_279, %sub3A_281, %add3A_266, %add3A_268, %add3A_267, %add3A_269, %add3A_271, %add3A_275, %add3A_273, %add3A_277 : vector<16xf32>, vector<16xf32>, vector<16xf32>, vector<16xf32>, vector<16xf32>, vector<16xf32>, vector<16xf32>, vector<16xf32>, vector<16xf32>, vector<16xf32>, vector<16xf32>, vector<16xf32>
      }
      %scan3A_217 = arith.constant 128 : i32
      scf.yield %scan3A_216#0, %scan3A_216#1, %scan3A_216#2, %scan3A_216#3, %scan3A_216#4, %scan3A_216#5, %scan3A_216#6, %scan3A_216#7, %scan3A_216#8, %scan3A_216#9, %scan3A_216#10, %scan3A_216#11 : vector<16xf32>, vector<16xf32>, vector<16xf32>, vector<16xf32>, vector<16xf32>, vector<16xf32>, vector<16xf32>, vector<16xf32>, vector<16xf32>, vector<16xf32>, vector<16xf32>, vector<16xf32>
    }
    %scan3A_57 = arith.constant 8 : i32
    %add3A_58 = arith.constant 1.000000e+00 : f32
    %add3A_59 = vector.broadcast %add3A_58 : f32 to vector<16xf32>
    %add3A_60 = arith.addf %scan3A_56#8, %add3A_59 : vector<16xf32>
    %sub3A_61 = arith.subf %add3A_60, %scan3A_56#4 : vector<16xf32>
    %add3A_62 = arith.constant 1.000000e+00 : f32
    %add3A_63 = vector.broadcast %add3A_62 : f32 to vector<16xf32>
    %add3A_64 = arith.addf %scan3A_56#9, %add3A_63 : vector<16xf32>
    %sub3A_65 = arith.subf %add3A_64, %scan3A_56#5 : vector<16xf32>
    %sub3A_66 = arith.subf %scan3A_56#10, %scan3A_56#6 : vector<16xf32>
    %sub3A_67 = arith.subf %scan3A_56#11, %scan3A_56#7 : vector<16xf32>
    %mul3A_68 = arith.mulf %sub3A_61, %sub3A_61 : vector<16xf32>
    %mul3A_69 = arith.mulf %sub3A_66, %sub3A_66 : vector<16xf32>
    %add3A_70 = arith.addf %mul3A_68, %mul3A_69 : vector<16xf32>
    %swap3A_71 = arith.constant 0 : index
    %swap3A_72 = tpu.vector_load %arg8[%swap3A_71] {strides = array<i32>} : memref<32xf32, #tpu.memory_space<vmem>>, vector<16xf32>,
    %swap3A_73 = vector.shape_cast %swap3A_72 : vector<16xf32> to vector<16xf32>
    %swap3A_74 = vector.shape_cast %add3A_70 : vector<16xf32> to vector<16xf32>
    tpu.vector_store %arg8[%swap3A_71], %swap3A_74 {strides = array<i32>} : memref<32xf32, #tpu.memory_space<vmem>>, vector<16xf32>,
    %mul3A_75 = arith.mulf %sub3A_65, %sub3A_65 : vector<16xf32>
    %mul3A_76 = arith.mulf %sub3A_67, %sub3A_67 : vector<16xf32>
    %add3A_77 = arith.addf %mul3A_75, %mul3A_76 : vector<16xf32>
    %swap3A_78 = arith.constant 16 : index
    %swap3A_79 = tpu.vector_load %arg8[%swap3A_78] {strides = array<i32>} : memref<32xf32, #tpu.memory_space<vmem>>, vector<16xf32>,
    %swap3A_80 = vector.shape_cast %swap3A_79 : vector<16xf32> to vector<16xf32>
    %swap3A_81 = vector.shape_cast %add3A_77 : vector<16xf32> to vector<16xf32>
    tpu.vector_store %arg8[%swap3A_78], %swap3A_81 {strides = array<i32>} : memref<32xf32, #tpu.memory_space<vmem>>, vector<16xf32>,
    "tpu.region"() ({
      %run_scoped3A = tpu.sem_alloc : memref<!tpu.dma_semaphore, #tpu.memory_space<semaphore_mem>>
      %dma_start3A_168 = arith.constant 0 : i32
      %dma_start3A_169 = tpu.memref_slice %arg4[%add3A_42, %dma_start3A_168] : memref<128x32xf32, #tpu.memory_space<hbm>> -> memref<1x32xf32, #tpu.memory_space<hbm>>
      %dma_start3A_170 = tpu.memref_squeeze %dma_start3A_169 : memref<1x32xf32, #tpu.memory_space<hbm>> -> memref<32xf32, #tpu.memory_space<hbm>>
      %dma_start3A_171 = arith.constant 0 : i32
      %dma_start3A_172 = tpu.memref_slice %arg4[%add3A_42, %dma_start3A_171] : memref<128x32xf32, #tpu.memory_space<hbm>> -> memref<1x32xf32, #tpu.memory_space<hbm>>
      %dma_start3A_173 = tpu.memref_squeeze %dma_start3A_172 : memref<1x32xf32, #tpu.memory_space<hbm>> -> memref<32xf32, #tpu.memory_space<hbm>>
      tpu.enqueue_dma source(%arg8 : memref<32xf32, #tpu.memory_space<vmem>>) target(%dma_start3A_173 : memref<32xf32, #tpu.memory_space<hbm>>) target_semaphore(%run_scoped3A : memref<!tpu.dma_semaphore, #tpu.memory_space<semaphore_mem>>)
      %dma_wait3A = arith.constant 0 : i32
      %dma_wait3A_174 = tpu.memref_slice %arg4[%add3A_42, %dma_wait3A] : memref<128x32xf32, #tpu.memory_space<hbm>> -> memref<1x32xf32, #tpu.memory_space<hbm>>
      %dma_wait3A_175 = tpu.memref_squeeze %dma_wait3A_174 : memref<1x32xf32, #tpu.memory_space<hbm>> -> memref<32xf32, #tpu.memory_space<hbm>>
      %dma_wait3A_176 = arith.constant 0 : i32
      %dma_wait3A_177 = tpu.memref_slice %arg4[%add3A_42, %dma_wait3A_176] : memref<128x32xf32, #tpu.memory_space<hbm>> -> memref<1x32xf32, #tpu.memory_space<hbm>>
      %dma_wait3A_178 = tpu.memref_squeeze %dma_wait3A_177 : memref<1x32xf32, #tpu.memory_space<hbm>> -> memref<32xf32, #tpu.memory_space<hbm>>
      tpu.wait_dma2 semaphore(%run_scoped3A : memref<!tpu.dma_semaphore, #tpu.memory_space<semaphore_mem>>) src(%arg8 : memref<32xf32, #tpu.memory_space<vmem>>) dst(%dma_wait3A_178 : memref<32xf32, #tpu.memory_space<hbm>>)
      tpu.yield
    }) : () -> ()
    %mul3A_82 = arith.constant 4 : i32
    %mul3A_83 = arith.muli %add3A, %mul3A_82 : i32
    %add3A_84 = arith.constant 2 : i32
    %add3A_85 = arith.addi %mul3A_83, %add3A_84 : i32
    "tpu.region"() ({
      %run_scoped3A = tpu.sem_alloc : memref<!tpu.dma_semaphore, #tpu.memory_space<semaphore_mem>>
      %dma_start3A_168 = arith.constant 0 : i32
      %dma_start3A_169 = tpu.memref_slice %arg3[%add3A_85, %dma_start3A_168] : memref<128x2048xi32, #tpu.memory_space<hbm>> -> memref<1x2048xi32, #tpu.memory_space<hbm>>
      %dma_start3A_170 = tpu.memref_squeeze %dma_start3A_169 : memref<1x2048xi32, #tpu.memory_space<hbm>> -> memref<2048xi32, #tpu.memory_space<hbm>>
      %dma_start3A_171 = arith.constant 0 : i32
      %dma_start3A_172 = tpu.memref_slice %arg3[%add3A_85, %dma_start3A_171] : memref<128x2048xi32, #tpu.memory_space<hbm>> -> memref<1x2048xi32, #tpu.memory_space<hbm>>
      %dma_start3A_173 = tpu.memref_squeeze %dma_start3A_172 : memref<1x2048xi32, #tpu.memory_space<hbm>> -> memref<2048xi32, #tpu.memory_space<hbm>>
      tpu.enqueue_dma source(%dma_start3A_173 : memref<2048xi32, #tpu.memory_space<hbm>>) target(%arg5 : memref<2048xi32, #tpu.memory_space<vmem>>) target_semaphore(%run_scoped3A : memref<!tpu.dma_semaphore, #tpu.memory_space<semaphore_mem>>)
      %dma_wait3A = arith.constant 0 : i32
      %dma_wait3A_174 = tpu.memref_slice %arg3[%add3A_85, %dma_wait3A] : memref<128x2048xi32, #tpu.memory_space<hbm>> -> memref<1x2048xi32, #tpu.memory_space<hbm>>
      %dma_wait3A_175 = tpu.memref_squeeze %dma_wait3A_174 : memref<1x2048xi32, #tpu.memory_space<hbm>> -> memref<2048xi32, #tpu.memory_space<hbm>>
      %dma_wait3A_176 = arith.constant 0 : i32
      %dma_wait3A_177 = tpu.memref_slice %arg3[%add3A_85, %dma_wait3A_176] : memref<128x2048xi32, #tpu.memory_space<hbm>> -> memref<1x2048xi32, #tpu.memory_space<hbm>>
      %dma_wait3A_178 = tpu.memref_squeeze %dma_wait3A_177 : memref<1x2048xi32, #tpu.memory_space<hbm>> -> memref<2048xi32, #tpu.memory_space<hbm>>
      tpu.wait_dma2 semaphore(%run_scoped3A : memref<!tpu.dma_semaphore, #tpu.memory_space<semaphore_mem>>) src(%dma_wait3A_178 : memref<2048xi32, #tpu.memory_space<hbm>>) dst(%arg5 : memref<2048xi32, #tpu.memory_space<vmem>>)
      tpu.yield
    }) : () -> ()
    %dma_start3A_86 = arith.constant 0 : i32
    %dma_start3A_87 = tpu.memref_slice %arg5[%dma_start3A_86] : memref<2048xi32, #tpu.memory_space<vmem>> -> memref<128xi32, #tpu.memory_space<vmem>>
    %dma_start3A_88 = arith.constant 0 : i32
    %dma_start3A_89 = arith.constant 0 : i32
    %dma_start3A_90 = tpu.memref_slice %arg2[%dma_start3A_88, %dma_start3A_89] : memref<2048x128xf32, #tpu.memory_space<hbm>> -> memref<2048x128xf32, #tpu.memory_space<hbm>>
    tpu.enqueue_indirect_dma source(%dma_start3A_90 : memref<2048x128xf32, #tpu.memory_space<hbm>>) target(%arg6 : memref<128x128xf32, #tpu.memory_space<vmem>>) offsets(%dma_start3A_87 : memref<128xi32, #tpu.memory_space<vmem>>) semaphore(%arg9 : memref<!tpu.dma_semaphore, #tpu.memory_space<semaphore_mem>>)
    %broadcast_in_dim3A_91 = arith.constant 1.000000e+00 : f32
    %broadcast_in_dim3A_92 = vector.broadcast %broadcast_in_dim3A_91 : f32 to vector<16xf32>
    %broadcast_in_dim3A_93 = arith.constant 0.000000e+00 : f32
    %broadcast_in_dim3A_94 = vector.broadcast %broadcast_in_dim3A_93 : f32 to vector<16xf32>
    %scan3A_95 = arith.constant 0 : i32
    %scan3A_96 = arith.constant 8 : i32
    %scan3A_97 = arith.addi %scan3A_95, %scan3A_96 : i32
    %scan3A_98 = arith.constant 1 : i32
    %scan3A_99:12 = scf.for %scan3A_168 = %scan3A_95 to %scan3A_97 step %scan3A_98 iter_args(%scan3A_169 = %broadcast_in_dim3A_92, %scan3A_170 = %broadcast_in_dim3A_92, %scan3A_171 = %broadcast_in_dim3A_94, %scan3A_172 = %broadcast_in_dim3A_94, %scan3A_173 = %broadcast_in_dim3A_94, %scan3A_174 = %broadcast_in_dim3A_94, %scan3A_175 = %broadcast_in_dim3A_94, %scan3A_176 = %broadcast_in_dim3A_94, %scan3A_177 = %broadcast_in_dim3A_94, %scan3A_178 = %broadcast_in_dim3A_94, %scan3A_179 = %broadcast_in_dim3A_94, %scan3A_180 = %broadcast_in_dim3A_94) -> (vector<16xf32>, vector<16xf32>, vector<16xf32>, vector<16xf32>, vector<16xf32>, vector<16xf32>, vector<16xf32>, vector<16xf32>, vector<16xf32>, vector<16xf32>, vector<16xf32>, vector<16xf32>)  : i32 {
      %mul3A_181 = arith.constant 2 : i32
      %mul3A_182 = arith.muli %scan3A_168, %mul3A_181 : i32
      %mul3A_183 = arith.constant 128 : i32
      %mul3A_184 = arith.muli %mul3A_182, %mul3A_183 : i32
      %dma_wait3A = tpu.memref_slice %arg5[%mul3A_184] : memref<2048xi32, #tpu.memory_space<vmem>> -> memref<128xi32, #tpu.memory_space<vmem>>
      %dma_wait3A_185 = arith.constant 0 : i32
      %dma_wait3A_186 = arith.constant 0 : i32
      %dma_wait3A_187 = tpu.memref_slice %arg2[%dma_wait3A_185, %dma_wait3A_186] : memref<2048x128xf32, #tpu.memory_space<hbm>> -> memref<2048x128xf32, #tpu.memory_space<hbm>>
      tpu.wait_indirect_dma semaphore(%arg9 : memref<!tpu.dma_semaphore, #tpu.memory_space<semaphore_mem>>) src(%dma_wait3A_187 : memref<2048x128xf32, #tpu.memory_space<hbm>>) dst(%arg6 : memref<128x128xf32, #tpu.memory_space<vmem>>)
      %add3A_188 = arith.constant 1 : i32
      %add3A_189 = arith.addi %mul3A_182, %add3A_188 : i32
      %mul3A_190 = arith.constant 128 : i32
      %mul3A_191 = arith.muli %add3A_189, %mul3A_190 : i32
      %dma_start3A_192 = tpu.memref_slice %arg5[%mul3A_191] : memref<2048xi32, #tpu.memory_space<vmem>> -> memref<128xi32, #tpu.memory_space<vmem>>
      %dma_start3A_193 = arith.constant 0 : i32
      %dma_start3A_194 = arith.constant 0 : i32
      %dma_start3A_195 = tpu.memref_slice %arg2[%dma_start3A_193, %dma_start3A_194] : memref<2048x128xf32, #tpu.memory_space<hbm>> -> memref<2048x128xf32, #tpu.memory_space<hbm>>
      tpu.enqueue_indirect_dma source(%dma_start3A_195 : memref<2048x128xf32, #tpu.memory_space<hbm>>) target(%arg7 : memref<128x128xf32, #tpu.memory_space<vmem>>) offsets(%dma_start3A_192 : memref<128xi32, #tpu.memory_space<vmem>>) semaphore(%arg10 : memref<!tpu.dma_semaphore, #tpu.memory_space<semaphore_mem>>)
      %scan3A_196 = arith.constant 0 : i32
      %scan3A_197 = arith.constant 128 : i32
      %scan3A_198 = arith.addi %scan3A_196, %scan3A_197 : i32
      %scan3A_199 = arith.constant 1 : i32
      %scan3A_200:12 = scf.for %scan3A_218 = %scan3A_196 to %scan3A_198 step %scan3A_199 iter_args(%scan3A_219 = %scan3A_169, %scan3A_220 = %scan3A_170, %scan3A_221 = %scan3A_171, %scan3A_222 = %scan3A_172, %scan3A_223 = %scan3A_173, %scan3A_224 = %scan3A_174, %scan3A_225 = %scan3A_175, %scan3A_226 = %scan3A_176, %scan3A_227 = %scan3A_177, %scan3A_228 = %scan3A_178, %scan3A_229 = %scan3A_179, %scan3A_230 = %scan3A_180) -> (vector<16xf32>, vector<16xf32>, vector<16xf32>, vector<16xf32>, vector<16xf32>, vector<16xf32>, vector<16xf32>, vector<16xf32>, vector<16xf32>, vector<16xf32>, vector<16xf32>, vector<16xf32>)  : i32 {
        %get3A = arith.index_cast %scan3A_218 : i32 to index
        %get3A_231 = arith.constant 0 : index
        %get3A_232 = tpu.vector_load %arg6[%get3A, %get3A_231] {strides = array<i32>} : memref<128x128xf32, #tpu.memory_space<vmem>>, vector<1x16xf32>,
        %get3A_233 = vector.shape_cast %get3A_232 : vector<1x16xf32> to vector<16xf32>
        %get3A_234 = arith.index_cast %scan3A_218 : i32 to index
        %get3A_235 = arith.constant 16 : index
        %get3A_236 = tpu.vector_load %arg6[%get3A_234, %get3A_235] {strides = array<i32>} : memref<128x128xf32, #tpu.memory_space<vmem>>, vector<1x16xf32>,
        %get3A_237 = vector.shape_cast %get3A_236 : vector<1x16xf32> to vector<16xf32>
        %get3A_238 = arith.index_cast %scan3A_218 : i32 to index
        %get3A_239 = arith.constant 32 : index
        %get3A_240 = tpu.vector_load %arg6[%get3A_238, %get3A_239] {strides = array<i32>} : memref<128x128xf32, #tpu.memory_space<vmem>>, vector<1x16xf32>,
        %get3A_241 = vector.shape_cast %get3A_240 : vector<1x16xf32> to vector<16xf32>
        %get3A_242 = arith.index_cast %scan3A_218 : i32 to index
        %get3A_243 = arith.constant 48 : index
        %get3A_244 = tpu.vector_load %arg6[%get3A_242, %get3A_243] {strides = array<i32>} : memref<128x128xf32, #tpu.memory_space<vmem>>, vector<1x16xf32>,
        %get3A_245 = vector.shape_cast %get3A_244 : vector<1x16xf32> to vector<16xf32>
        %get3A_246 = arith.index_cast %scan3A_218 : i32 to index
        %get3A_247 = arith.constant 64 : index
        %get3A_248 = tpu.vector_load %arg6[%get3A_246, %get3A_247] {strides = array<i32>} : memref<128x128xf32, #tpu.memory_space<vmem>>, vector<1x16xf32>,
        %get3A_249 = vector.shape_cast %get3A_248 : vector<1x16xf32> to vector<16xf32>
        %get3A_250 = arith.index_cast %scan3A_218 : i32 to index
        %get3A_251 = arith.constant 80 : index
        %get3A_252 = tpu.vector_load %arg6[%get3A_250, %get3A_251] {strides = array<i32>} : memref<128x128xf32, #tpu.memory_space<vmem>>, vector<1x16xf32>,
        %get3A_253 = vector.shape_cast %get3A_252 : vector<1x16xf32> to vector<16xf32>
        %mul3A_254 = arith.mulf %get3A_233, %scan3A_219 : vector<16xf32>
        %mul3A_255 = arith.mulf %get3A_241, %scan3A_221 : vector<16xf32>
        %sub3A_256 = arith.subf %mul3A_254, %mul3A_255 : vector<16xf32>
        %mul3A_257 = arith.mulf %get3A_233, %scan3A_221 : vector<16xf32>
        %mul3A_258 = arith.mulf %get3A_241, %scan3A_219 : vector<16xf32>
        %add3A_259 = arith.addf %mul3A_257, %mul3A_258 : vector<16xf32>
        %mul3A_260 = arith.mulf %get3A_237, %scan3A_220 : vector<16xf32>
        %mul3A_261 = arith.mulf %get3A_245, %scan3A_222 : vector<16xf32>
        %sub3A_262 = arith.subf %mul3A_260, %mul3A_261 : vector<16xf32>
        %mul3A_263 = arith.mulf %get3A_237, %scan3A_222 : vector<16xf32>
        %mul3A_264 = arith.mulf %get3A_245, %scan3A_220 : vector<16xf32>
        %add3A_265 = arith.addf %mul3A_263, %mul3A_264 : vector<16xf32>
        %add3A_266 = arith.addf %scan3A_223, %sub3A_256 : vector<16xf32>
        %add3A_267 = arith.addf %scan3A_225, %add3A_259 : vector<16xf32>
        %add3A_268 = arith.addf %scan3A_224, %sub3A_262 : vector<16xf32>
        %add3A_269 = arith.addf %scan3A_226, %add3A_265 : vector<16xf32>
        %mul3A_270 = arith.mulf %sub3A_256, %get3A_249 : vector<16xf32>
        %add3A_271 = arith.addf %scan3A_227, %mul3A_270 : vector<16xf32>
        %mul3A_272 = arith.mulf %add3A_259, %get3A_249 : vector<16xf32>
        %add3A_273 = arith.addf %scan3A_229, %mul3A_272 : vector<16xf32>
        %mul3A_274 = arith.mulf %sub3A_262, %get3A_253 : vector<16xf32>
        %add3A_275 = arith.addf %scan3A_228, %mul3A_274 : vector<16xf32>
        %mul3A_276 = arith.mulf %add3A_265, %get3A_253 : vector<16xf32>
        %add3A_277 = arith.addf %scan3A_230, %mul3A_276 : vector<16xf32>
        %sub3A_278 = arith.subf %scan3A_219, %sub3A_256 : vector<16xf32>
        %sub3A_279 = arith.subf %scan3A_221, %add3A_259 : vector<16xf32>
        %sub3A_280 = arith.subf %scan3A_220, %sub3A_262 : vector<16xf32>
        %sub3A_281 = arith.subf %scan3A_222, %add3A_265 : vector<16xf32>
        scf.yield %sub3A_278, %sub3A_280, %sub3A_279, %sub3A_281, %add3A_266, %add3A_268, %add3A_267, %add3A_269, %add3A_271, %add3A_275, %add3A_273, %add3A_277 : vector<16xf32>, vector<16xf32>, vector<16xf32>, vector<16xf32>, vector<16xf32>, vector<16xf32>, vector<16xf32>, vector<16xf32>, vector<16xf32>, vector<16xf32>, vector<16xf32>, vector<16xf32>
      }
      %scan3A_201 = arith.constant 128 : i32
      %add3A_202 = arith.constant 1 : i32
      %add3A_203 = arith.addi %mul3A_182, %add3A_202 : i32
      %mul3A_204 = arith.constant 128 : i32
      %mul3A_205 = arith.muli %add3A_203, %mul3A_204 : i32
      %dma_wait3A_206 = tpu.memref_slice %arg5[%mul3A_205] : memref<2048xi32, #tpu.memory_space<vmem>> -> memref<128xi32, #tpu.memory_space<vmem>>
      %dma_wait3A_207 = arith.constant 0 : i32
      %dma_wait3A_208 = arith.constant 0 : i32
      %dma_wait3A_209 = tpu.memref_slice %arg2[%dma_wait3A_207, %dma_wait3A_208] : memref<2048x128xf32, #tpu.memory_space<hbm>> -> memref<2048x128xf32, #tpu.memory_space<hbm>>
      tpu.wait_indirect_dma semaphore(%arg10 : memref<!tpu.dma_semaphore, #tpu.memory_space<semaphore_mem>>) src(%dma_wait3A_209 : memref<2048x128xf32, #tpu.memory_space<hbm>>) dst(%arg7 : memref<128x128xf32, #tpu.memory_space<vmem>>)
      %lt3A = arith.constant 7 : i32
      %lt3A_210 = arith.cmpi slt, %scan3A_168, %lt3A : i32
      %convert_element_type3A = arith.extui %lt3A_210 : i1 to i32
      %cond3A = arith.constant 0 : i32
      %cond3A_211 = arith.cmpi ne, %convert_element_type3A, %cond3A : i32
      scf.if %cond3A_211 {
        %add3A_218 = arith.constant 2 : i32
        %add3A_219 = arith.addi %mul3A_182, %add3A_218 : i32
        %mul3A_220 = arith.constant 128 : i32
        %mul3A_221 = arith.muli %add3A_219, %mul3A_220 : i32
        %dma_start3A_222 = tpu.memref_slice %arg5[%mul3A_221] : memref<2048xi32, #tpu.memory_space<vmem>> -> memref<128xi32, #tpu.memory_space<vmem>>
        %dma_start3A_223 = arith.constant 0 : i32
        %dma_start3A_224 = arith.constant 0 : i32
        %dma_start3A_225 = tpu.memref_slice %arg2[%dma_start3A_223, %dma_start3A_224] : memref<2048x128xf32, #tpu.memory_space<hbm>> -> memref<2048x128xf32, #tpu.memory_space<hbm>>
        tpu.enqueue_indirect_dma source(%dma_start3A_225 : memref<2048x128xf32, #tpu.memory_space<hbm>>) target(%arg6 : memref<128x128xf32, #tpu.memory_space<vmem>>) offsets(%dma_start3A_222 : memref<128xi32, #tpu.memory_space<vmem>>) semaphore(%arg9 : memref<!tpu.dma_semaphore, #tpu.memory_space<semaphore_mem>>)
      } else {
      }
      %scan3A_212 = arith.constant 0 : i32
      %scan3A_213 = arith.constant 128 : i32
      %scan3A_214 = arith.addi %scan3A_212, %scan3A_213 : i32
      %scan3A_215 = arith.constant 1 : i32
      %scan3A_216:12 = scf.for %scan3A_218 = %scan3A_212 to %scan3A_214 step %scan3A_215 iter_args(%scan3A_219 = %scan3A_200#0, %scan3A_220 = %scan3A_200#1, %scan3A_221 = %scan3A_200#2, %scan3A_222 = %scan3A_200#3, %scan3A_223 = %scan3A_200#4, %scan3A_224 = %scan3A_200#5, %scan3A_225 = %scan3A_200#6, %scan3A_226 = %scan3A_200#7, %scan3A_227 = %scan3A_200#8, %scan3A_228 = %scan3A_200#9, %scan3A_229 = %scan3A_200#10, %scan3A_230 = %scan3A_200#11) -> (vector<16xf32>, vector<16xf32>, vector<16xf32>, vector<16xf32>, vector<16xf32>, vector<16xf32>, vector<16xf32>, vector<16xf32>, vector<16xf32>, vector<16xf32>, vector<16xf32>, vector<16xf32>)  : i32 {
        %get3A = arith.index_cast %scan3A_218 : i32 to index
        %get3A_231 = arith.constant 0 : index
        %get3A_232 = tpu.vector_load %arg7[%get3A, %get3A_231] {strides = array<i32>} : memref<128x128xf32, #tpu.memory_space<vmem>>, vector<1x16xf32>,
        %get3A_233 = vector.shape_cast %get3A_232 : vector<1x16xf32> to vector<16xf32>
        %get3A_234 = arith.index_cast %scan3A_218 : i32 to index
        %get3A_235 = arith.constant 16 : index
        %get3A_236 = tpu.vector_load %arg7[%get3A_234, %get3A_235] {strides = array<i32>} : memref<128x128xf32, #tpu.memory_space<vmem>>, vector<1x16xf32>,
        %get3A_237 = vector.shape_cast %get3A_236 : vector<1x16xf32> to vector<16xf32>
        %get3A_238 = arith.index_cast %scan3A_218 : i32 to index
        %get3A_239 = arith.constant 32 : index
        %get3A_240 = tpu.vector_load %arg7[%get3A_238, %get3A_239] {strides = array<i32>} : memref<128x128xf32, #tpu.memory_space<vmem>>, vector<1x16xf32>,
        %get3A_241 = vector.shape_cast %get3A_240 : vector<1x16xf32> to vector<16xf32>
        %get3A_242 = arith.index_cast %scan3A_218 : i32 to index
        %get3A_243 = arith.constant 48 : index
        %get3A_244 = tpu.vector_load %arg7[%get3A_242, %get3A_243] {strides = array<i32>} : memref<128x128xf32, #tpu.memory_space<vmem>>, vector<1x16xf32>,
        %get3A_245 = vector.shape_cast %get3A_244 : vector<1x16xf32> to vector<16xf32>
        %get3A_246 = arith.index_cast %scan3A_218 : i32 to index
        %get3A_247 = arith.constant 64 : index
        %get3A_248 = tpu.vector_load %arg7[%get3A_246, %get3A_247] {strides = array<i32>} : memref<128x128xf32, #tpu.memory_space<vmem>>, vector<1x16xf32>,
        %get3A_249 = vector.shape_cast %get3A_248 : vector<1x16xf32> to vector<16xf32>
        %get3A_250 = arith.index_cast %scan3A_218 : i32 to index
        %get3A_251 = arith.constant 80 : index
        %get3A_252 = tpu.vector_load %arg7[%get3A_250, %get3A_251] {strides = array<i32>} : memref<128x128xf32, #tpu.memory_space<vmem>>, vector<1x16xf32>,
        %get3A_253 = vector.shape_cast %get3A_252 : vector<1x16xf32> to vector<16xf32>
        %mul3A_254 = arith.mulf %get3A_233, %scan3A_219 : vector<16xf32>
        %mul3A_255 = arith.mulf %get3A_241, %scan3A_221 : vector<16xf32>
        %sub3A_256 = arith.subf %mul3A_254, %mul3A_255 : vector<16xf32>
        %mul3A_257 = arith.mulf %get3A_233, %scan3A_221 : vector<16xf32>
        %mul3A_258 = arith.mulf %get3A_241, %scan3A_219 : vector<16xf32>
        %add3A_259 = arith.addf %mul3A_257, %mul3A_258 : vector<16xf32>
        %mul3A_260 = arith.mulf %get3A_237, %scan3A_220 : vector<16xf32>
        %mul3A_261 = arith.mulf %get3A_245, %scan3A_222 : vector<16xf32>
        %sub3A_262 = arith.subf %mul3A_260, %mul3A_261 : vector<16xf32>
        %mul3A_263 = arith.mulf %get3A_237, %scan3A_222 : vector<16xf32>
        %mul3A_264 = arith.mulf %get3A_245, %scan3A_220 : vector<16xf32>
        %add3A_265 = arith.addf %mul3A_263, %mul3A_264 : vector<16xf32>
        %add3A_266 = arith.addf %scan3A_223, %sub3A_256 : vector<16xf32>
        %add3A_267 = arith.addf %scan3A_225, %add3A_259 : vector<16xf32>
        %add3A_268 = arith.addf %scan3A_224, %sub3A_262 : vector<16xf32>
        %add3A_269 = arith.addf %scan3A_226, %add3A_265 : vector<16xf32>
        %mul3A_270 = arith.mulf %sub3A_256, %get3A_249 : vector<16xf32>
        %add3A_271 = arith.addf %scan3A_227, %mul3A_270 : vector<16xf32>
        %mul3A_272 = arith.mulf %add3A_259, %get3A_249 : vector<16xf32>
        %add3A_273 = arith.addf %scan3A_229, %mul3A_272 : vector<16xf32>
        %mul3A_274 = arith.mulf %sub3A_262, %get3A_253 : vector<16xf32>
        %add3A_275 = arith.addf %scan3A_228, %mul3A_274 : vector<16xf32>
        %mul3A_276 = arith.mulf %add3A_265, %get3A_253 : vector<16xf32>
        %add3A_277 = arith.addf %scan3A_230, %mul3A_276 : vector<16xf32>
        %sub3A_278 = arith.subf %scan3A_219, %sub3A_256 : vector<16xf32>
        %sub3A_279 = arith.subf %scan3A_221, %add3A_259 : vector<16xf32>
        %sub3A_280 = arith.subf %scan3A_220, %sub3A_262 : vector<16xf32>
        %sub3A_281 = arith.subf %scan3A_222, %add3A_265 : vector<16xf32>
        scf.yield %sub3A_278, %sub3A_280, %sub3A_279, %sub3A_281, %add3A_266, %add3A_268, %add3A_267, %add3A_269, %add3A_271, %add3A_275, %add3A_273, %add3A_277 : vector<16xf32>, vector<16xf32>, vector<16xf32>, vector<16xf32>, vector<16xf32>, vector<16xf32>, vector<16xf32>, vector<16xf32>, vector<16xf32>, vector<16xf32>, vector<16xf32>, vector<16xf32>
      }
      %scan3A_217 = arith.constant 128 : i32
      scf.yield %scan3A_216#0, %scan3A_216#1, %scan3A_216#2, %scan3A_216#3, %scan3A_216#4, %scan3A_216#5, %scan3A_216#6, %scan3A_216#7, %scan3A_216#8, %scan3A_216#9, %scan3A_216#10, %scan3A_216#11 : vector<16xf32>, vector<16xf32>, vector<16xf32>, vector<16xf32>, vector<16xf32>, vector<16xf32>, vector<16xf32>, vector<16xf32>, vector<16xf32>, vector<16xf32>, vector<16xf32>, vector<16xf32>
    }
    %scan3A_100 = arith.constant 8 : i32
    %add3A_101 = arith.constant 1.000000e+00 : f32
    %add3A_102 = vector.broadcast %add3A_101 : f32 to vector<16xf32>
    %add3A_103 = arith.addf %scan3A_99#8, %add3A_102 : vector<16xf32>
    %sub3A_104 = arith.subf %add3A_103, %scan3A_99#4 : vector<16xf32>
    %add3A_105 = arith.constant 1.000000e+00 : f32
    %add3A_106 = vector.broadcast %add3A_105 : f32 to vector<16xf32>
    %add3A_107 = arith.addf %scan3A_99#9, %add3A_106 : vector<16xf32>
    %sub3A_108 = arith.subf %add3A_107, %scan3A_99#5 : vector<16xf32>
    %sub3A_109 = arith.subf %scan3A_99#10, %scan3A_99#6 : vector<16xf32>
    %sub3A_110 = arith.subf %scan3A_99#11, %scan3A_99#7 : vector<16xf32>
    %mul3A_111 = arith.mulf %sub3A_104, %sub3A_104 : vector<16xf32>
    %mul3A_112 = arith.mulf %sub3A_109, %sub3A_109 : vector<16xf32>
    %add3A_113 = arith.addf %mul3A_111, %mul3A_112 : vector<16xf32>
    %swap3A_114 = arith.constant 0 : index
    %swap3A_115 = tpu.vector_load %arg8[%swap3A_114] {strides = array<i32>} : memref<32xf32, #tpu.memory_space<vmem>>, vector<16xf32>,
    %swap3A_116 = vector.shape_cast %swap3A_115 : vector<16xf32> to vector<16xf32>
    %swap3A_117 = vector.shape_cast %add3A_113 : vector<16xf32> to vector<16xf32>
    tpu.vector_store %arg8[%swap3A_114], %swap3A_117 {strides = array<i32>} : memref<32xf32, #tpu.memory_space<vmem>>, vector<16xf32>,
    %mul3A_118 = arith.mulf %sub3A_108, %sub3A_108 : vector<16xf32>
    %mul3A_119 = arith.mulf %sub3A_110, %sub3A_110 : vector<16xf32>
    %add3A_120 = arith.addf %mul3A_118, %mul3A_119 : vector<16xf32>
    %swap3A_121 = arith.constant 16 : index
    %swap3A_122 = tpu.vector_load %arg8[%swap3A_121] {strides = array<i32>} : memref<32xf32, #tpu.memory_space<vmem>>, vector<16xf32>,
    %swap3A_123 = vector.shape_cast %swap3A_122 : vector<16xf32> to vector<16xf32>
    %swap3A_124 = vector.shape_cast %add3A_120 : vector<16xf32> to vector<16xf32>
    tpu.vector_store %arg8[%swap3A_121], %swap3A_124 {strides = array<i32>} : memref<32xf32, #tpu.memory_space<vmem>>, vector<16xf32>,
    "tpu.region"() ({
      %run_scoped3A = tpu.sem_alloc : memref<!tpu.dma_semaphore, #tpu.memory_space<semaphore_mem>>
      %dma_start3A_168 = arith.constant 0 : i32
      %dma_start3A_169 = tpu.memref_slice %arg4[%add3A_85, %dma_start3A_168] : memref<128x32xf32, #tpu.memory_space<hbm>> -> memref<1x32xf32, #tpu.memory_space<hbm>>
      %dma_start3A_170 = tpu.memref_squeeze %dma_start3A_169 : memref<1x32xf32, #tpu.memory_space<hbm>> -> memref<32xf32, #tpu.memory_space<hbm>>
      %dma_start3A_171 = arith.constant 0 : i32
      %dma_start3A_172 = tpu.memref_slice %arg4[%add3A_85, %dma_start3A_171] : memref<128x32xf32, #tpu.memory_space<hbm>> -> memref<1x32xf32, #tpu.memory_space<hbm>>
      %dma_start3A_173 = tpu.memref_squeeze %dma_start3A_172 : memref<1x32xf32, #tpu.memory_space<hbm>> -> memref<32xf32, #tpu.memory_space<hbm>>
      tpu.enqueue_dma source(%arg8 : memref<32xf32, #tpu.memory_space<vmem>>) target(%dma_start3A_173 : memref<32xf32, #tpu.memory_space<hbm>>) target_semaphore(%run_scoped3A : memref<!tpu.dma_semaphore, #tpu.memory_space<semaphore_mem>>)
      %dma_wait3A = arith.constant 0 : i32
      %dma_wait3A_174 = tpu.memref_slice %arg4[%add3A_85, %dma_wait3A] : memref<128x32xf32, #tpu.memory_space<hbm>> -> memref<1x32xf32, #tpu.memory_space<hbm>>
      %dma_wait3A_175 = tpu.memref_squeeze %dma_wait3A_174 : memref<1x32xf32, #tpu.memory_space<hbm>> -> memref<32xf32, #tpu.memory_space<hbm>>
      %dma_wait3A_176 = arith.constant 0 : i32
      %dma_wait3A_177 = tpu.memref_slice %arg4[%add3A_85, %dma_wait3A_176] : memref<128x32xf32, #tpu.memory_space<hbm>> -> memref<1x32xf32, #tpu.memory_space<hbm>>
      %dma_wait3A_178 = tpu.memref_squeeze %dma_wait3A_177 : memref<1x32xf32, #tpu.memory_space<hbm>> -> memref<32xf32, #tpu.memory_space<hbm>>
      tpu.wait_dma2 semaphore(%run_scoped3A : memref<!tpu.dma_semaphore, #tpu.memory_space<semaphore_mem>>) src(%arg8 : memref<32xf32, #tpu.memory_space<vmem>>) dst(%dma_wait3A_178 : memref<32xf32, #tpu.memory_space<hbm>>)
      tpu.yield
    }) : () -> ()
    %mul3A_125 = arith.constant 4 : i32
    %mul3A_126 = arith.muli %add3A, %mul3A_125 : i32
    %add3A_127 = arith.constant 3 : i32
    %add3A_128 = arith.addi %mul3A_126, %add3A_127 : i32
    "tpu.region"() ({
      %run_scoped3A = tpu.sem_alloc : memref<!tpu.dma_semaphore, #tpu.memory_space<semaphore_mem>>
      %dma_start3A_168 = arith.constant 0 : i32
      %dma_start3A_169 = tpu.memref_slice %arg3[%add3A_128, %dma_start3A_168] : memref<128x2048xi32, #tpu.memory_space<hbm>> -> memref<1x2048xi32, #tpu.memory_space<hbm>>
      %dma_start3A_170 = tpu.memref_squeeze %dma_start3A_169 : memref<1x2048xi32, #tpu.memory_space<hbm>> -> memref<2048xi32, #tpu.memory_space<hbm>>
      %dma_start3A_171 = arith.constant 0 : i32
      %dma_start3A_172 = tpu.memref_slice %arg3[%add3A_128, %dma_start3A_171] : memref<128x2048xi32, #tpu.memory_space<hbm>> -> memref<1x2048xi32, #tpu.memory_space<hbm>>
      %dma_start3A_173 = tpu.memref_squeeze %dma_start3A_172 : memref<1x2048xi32, #tpu.memory_space<hbm>> -> memref<2048xi32, #tpu.memory_space<hbm>>
      tpu.enqueue_dma source(%dma_start3A_173 : memref<2048xi32, #tpu.memory_space<hbm>>) target(%arg5 : memref<2048xi32, #tpu.memory_space<vmem>>) target_semaphore(%run_scoped3A : memref<!tpu.dma_semaphore, #tpu.memory_space<semaphore_mem>>)
      %dma_wait3A = arith.constant 0 : i32
      %dma_wait3A_174 = tpu.memref_slice %arg3[%add3A_128, %dma_wait3A] : memref<128x2048xi32, #tpu.memory_space<hbm>> -> memref<1x2048xi32, #tpu.memory_space<hbm>>
      %dma_wait3A_175 = tpu.memref_squeeze %dma_wait3A_174 : memref<1x2048xi32, #tpu.memory_space<hbm>> -> memref<2048xi32, #tpu.memory_space<hbm>>
      %dma_wait3A_176 = arith.constant 0 : i32
      %dma_wait3A_177 = tpu.memref_slice %arg3[%add3A_128, %dma_wait3A_176] : memref<128x2048xi32, #tpu.memory_space<hbm>> -> memref<1x2048xi32, #tpu.memory_space<hbm>>
      %dma_wait3A_178 = tpu.memref_squeeze %dma_wait3A_177 : memref<1x2048xi32, #tpu.memory_space<hbm>> -> memref<2048xi32, #tpu.memory_space<hbm>>
      tpu.wait_dma2 semaphore(%run_scoped3A : memref<!tpu.dma_semaphore, #tpu.memory_space<semaphore_mem>>) src(%dma_wait3A_178 : memref<2048xi32, #tpu.memory_space<hbm>>) dst(%arg5 : memref<2048xi32, #tpu.memory_space<vmem>>)
      tpu.yield
    }) : () -> ()
    %dma_start3A_129 = arith.constant 0 : i32
    %dma_start3A_130 = tpu.memref_slice %arg5[%dma_start3A_129] : memref<2048xi32, #tpu.memory_space<vmem>> -> memref<128xi32, #tpu.memory_space<vmem>>
    %dma_start3A_131 = arith.constant 0 : i32
    %dma_start3A_132 = arith.constant 0 : i32
    %dma_start3A_133 = tpu.memref_slice %arg2[%dma_start3A_131, %dma_start3A_132] : memref<2048x128xf32, #tpu.memory_space<hbm>> -> memref<2048x128xf32, #tpu.memory_space<hbm>>
    tpu.enqueue_indirect_dma source(%dma_start3A_133 : memref<2048x128xf32, #tpu.memory_space<hbm>>) target(%arg6 : memref<128x128xf32, #tpu.memory_space<vmem>>) offsets(%dma_start3A_130 : memref<128xi32, #tpu.memory_space<vmem>>) semaphore(%arg9 : memref<!tpu.dma_semaphore, #tpu.memory_space<semaphore_mem>>)
    %broadcast_in_dim3A_134 = arith.constant 1.000000e+00 : f32
    %broadcast_in_dim3A_135 = vector.broadcast %broadcast_in_dim3A_134 : f32 to vector<16xf32>
    %broadcast_in_dim3A_136 = arith.constant 0.000000e+00 : f32
    %broadcast_in_dim3A_137 = vector.broadcast %broadcast_in_dim3A_136 : f32 to vector<16xf32>
    %scan3A_138 = arith.constant 0 : i32
    %scan3A_139 = arith.constant 8 : i32
    %scan3A_140 = arith.addi %scan3A_138, %scan3A_139 : i32
    %scan3A_141 = arith.constant 1 : i32
    %scan3A_142:12 = scf.for %scan3A_168 = %scan3A_138 to %scan3A_140 step %scan3A_141 iter_args(%scan3A_169 = %broadcast_in_dim3A_135, %scan3A_170 = %broadcast_in_dim3A_135, %scan3A_171 = %broadcast_in_dim3A_137, %scan3A_172 = %broadcast_in_dim3A_137, %scan3A_173 = %broadcast_in_dim3A_137, %scan3A_174 = %broadcast_in_dim3A_137, %scan3A_175 = %broadcast_in_dim3A_137, %scan3A_176 = %broadcast_in_dim3A_137, %scan3A_177 = %broadcast_in_dim3A_137, %scan3A_178 = %broadcast_in_dim3A_137, %scan3A_179 = %broadcast_in_dim3A_137, %scan3A_180 = %broadcast_in_dim3A_137) -> (vector<16xf32>, vector<16xf32>, vector<16xf32>, vector<16xf32>, vector<16xf32>, vector<16xf32>, vector<16xf32>, vector<16xf32>, vector<16xf32>, vector<16xf32>, vector<16xf32>, vector<16xf32>)  : i32 {
      %mul3A_181 = arith.constant 2 : i32
      %mul3A_182 = arith.muli %scan3A_168, %mul3A_181 : i32
      %mul3A_183 = arith.constant 128 : i32
      %mul3A_184 = arith.muli %mul3A_182, %mul3A_183 : i32
      %dma_wait3A = tpu.memref_slice %arg5[%mul3A_184] : memref<2048xi32, #tpu.memory_space<vmem>> -> memref<128xi32, #tpu.memory_space<vmem>>
      %dma_wait3A_185 = arith.constant 0 : i32
      %dma_wait3A_186 = arith.constant 0 : i32
      %dma_wait3A_187 = tpu.memref_slice %arg2[%dma_wait3A_185, %dma_wait3A_186] : memref<2048x128xf32, #tpu.memory_space<hbm>> -> memref<2048x128xf32, #tpu.memory_space<hbm>>
      tpu.wait_indirect_dma semaphore(%arg9 : memref<!tpu.dma_semaphore, #tpu.memory_space<semaphore_mem>>) src(%dma_wait3A_187 : memref<2048x128xf32, #tpu.memory_space<hbm>>) dst(%arg6 : memref<128x128xf32, #tpu.memory_space<vmem>>)
      %add3A_188 = arith.constant 1 : i32
      %add3A_189 = arith.addi %mul3A_182, %add3A_188 : i32
      %mul3A_190 = arith.constant 128 : i32
      %mul3A_191 = arith.muli %add3A_189, %mul3A_190 : i32
      %dma_start3A_192 = tpu.memref_slice %arg5[%mul3A_191] : memref<2048xi32, #tpu.memory_space<vmem>> -> memref<128xi32, #tpu.memory_space<vmem>>
      %dma_start3A_193 = arith.constant 0 : i32
      %dma_start3A_194 = arith.constant 0 : i32
      %dma_start3A_195 = tpu.memref_slice %arg2[%dma_start3A_193, %dma_start3A_194] : memref<2048x128xf32, #tpu.memory_space<hbm>> -> memref<2048x128xf32, #tpu.memory_space<hbm>>
      tpu.enqueue_indirect_dma source(%dma_start3A_195 : memref<2048x128xf32, #tpu.memory_space<hbm>>) target(%arg7 : memref<128x128xf32, #tpu.memory_space<vmem>>) offsets(%dma_start3A_192 : memref<128xi32, #tpu.memory_space<vmem>>) semaphore(%arg10 : memref<!tpu.dma_semaphore, #tpu.memory_space<semaphore_mem>>)
      %scan3A_196 = arith.constant 0 : i32
      %scan3A_197 = arith.constant 128 : i32
      %scan3A_198 = arith.addi %scan3A_196, %scan3A_197 : i32
      %scan3A_199 = arith.constant 1 : i32
      %scan3A_200:12 = scf.for %scan3A_218 = %scan3A_196 to %scan3A_198 step %scan3A_199 iter_args(%scan3A_219 = %scan3A_169, %scan3A_220 = %scan3A_170, %scan3A_221 = %scan3A_171, %scan3A_222 = %scan3A_172, %scan3A_223 = %scan3A_173, %scan3A_224 = %scan3A_174, %scan3A_225 = %scan3A_175, %scan3A_226 = %scan3A_176, %scan3A_227 = %scan3A_177, %scan3A_228 = %scan3A_178, %scan3A_229 = %scan3A_179, %scan3A_230 = %scan3A_180) -> (vector<16xf32>, vector<16xf32>, vector<16xf32>, vector<16xf32>, vector<16xf32>, vector<16xf32>, vector<16xf32>, vector<16xf32>, vector<16xf32>, vector<16xf32>, vector<16xf32>, vector<16xf32>)  : i32 {
        %get3A = arith.index_cast %scan3A_218 : i32 to index
        %get3A_231 = arith.constant 0 : index
        %get3A_232 = tpu.vector_load %arg6[%get3A, %get3A_231] {strides = array<i32>} : memref<128x128xf32, #tpu.memory_space<vmem>>, vector<1x16xf32>,
        %get3A_233 = vector.shape_cast %get3A_232 : vector<1x16xf32> to vector<16xf32>
        %get3A_234 = arith.index_cast %scan3A_218 : i32 to index
        %get3A_235 = arith.constant 16 : index
        %get3A_236 = tpu.vector_load %arg6[%get3A_234, %get3A_235] {strides = array<i32>} : memref<128x128xf32, #tpu.memory_space<vmem>>, vector<1x16xf32>,
        %get3A_237 = vector.shape_cast %get3A_236 : vector<1x16xf32> to vector<16xf32>
        %get3A_238 = arith.index_cast %scan3A_218 : i32 to index
        %get3A_239 = arith.constant 32 : index
        %get3A_240 = tpu.vector_load %arg6[%get3A_238, %get3A_239] {strides = array<i32>} : memref<128x128xf32, #tpu.memory_space<vmem>>, vector<1x16xf32>,
        %get3A_241 = vector.shape_cast %get3A_240 : vector<1x16xf32> to vector<16xf32>
        %get3A_242 = arith.index_cast %scan3A_218 : i32 to index
        %get3A_243 = arith.constant 48 : index
        %get3A_244 = tpu.vector_load %arg6[%get3A_242, %get3A_243] {strides = array<i32>} : memref<128x128xf32, #tpu.memory_space<vmem>>, vector<1x16xf32>,
        %get3A_245 = vector.shape_cast %get3A_244 : vector<1x16xf32> to vector<16xf32>
        %get3A_246 = arith.index_cast %scan3A_218 : i32 to index
        %get3A_247 = arith.constant 64 : index
        %get3A_248 = tpu.vector_load %arg6[%get3A_246, %get3A_247] {strides = array<i32>} : memref<128x128xf32, #tpu.memory_space<vmem>>, vector<1x16xf32>,
        %get3A_249 = vector.shape_cast %get3A_248 : vector<1x16xf32> to vector<16xf32>
        %get3A_250 = arith.index_cast %scan3A_218 : i32 to index
        %get3A_251 = arith.constant 80 : index
        %get3A_252 = tpu.vector_load %arg6[%get3A_250, %get3A_251] {strides = array<i32>} : memref<128x128xf32, #tpu.memory_space<vmem>>, vector<1x16xf32>,
        %get3A_253 = vector.shape_cast %get3A_252 : vector<1x16xf32> to vector<16xf32>
        %mul3A_254 = arith.mulf %get3A_233, %scan3A_219 : vector<16xf32>
        %mul3A_255 = arith.mulf %get3A_241, %scan3A_221 : vector<16xf32>
        %sub3A_256 = arith.subf %mul3A_254, %mul3A_255 : vector<16xf32>
        %mul3A_257 = arith.mulf %get3A_233, %scan3A_221 : vector<16xf32>
        %mul3A_258 = arith.mulf %get3A_241, %scan3A_219 : vector<16xf32>
        %add3A_259 = arith.addf %mul3A_257, %mul3A_258 : vector<16xf32>
        %mul3A_260 = arith.mulf %get3A_237, %scan3A_220 : vector<16xf32>
        %mul3A_261 = arith.mulf %get3A_245, %scan3A_222 : vector<16xf32>
        %sub3A_262 = arith.subf %mul3A_260, %mul3A_261 : vector<16xf32>
        %mul3A_263 = arith.mulf %get3A_237, %scan3A_222 : vector<16xf32>
        %mul3A_264 = arith.mulf %get3A_245, %scan3A_220 : vector<16xf32>
        %add3A_265 = arith.addf %mul3A_263, %mul3A_264 : vector<16xf32>
        %add3A_266 = arith.addf %scan3A_223, %sub3A_256 : vector<16xf32>
        %add3A_267 = arith.addf %scan3A_225, %add3A_259 : vector<16xf32>
        %add3A_268 = arith.addf %scan3A_224, %sub3A_262 : vector<16xf32>
        %add3A_269 = arith.addf %scan3A_226, %add3A_265 : vector<16xf32>
        %mul3A_270 = arith.mulf %sub3A_256, %get3A_249 : vector<16xf32>
        %add3A_271 = arith.addf %scan3A_227, %mul3A_270 : vector<16xf32>
        %mul3A_272 = arith.mulf %add3A_259, %get3A_249 : vector<16xf32>
        %add3A_273 = arith.addf %scan3A_229, %mul3A_272 : vector<16xf32>
        %mul3A_274 = arith.mulf %sub3A_262, %get3A_253 : vector<16xf32>
        %add3A_275 = arith.addf %scan3A_228, %mul3A_274 : vector<16xf32>
        %mul3A_276 = arith.mulf %add3A_265, %get3A_253 : vector<16xf32>
        %add3A_277 = arith.addf %scan3A_230, %mul3A_276 : vector<16xf32>
        %sub3A_278 = arith.subf %scan3A_219, %sub3A_256 : vector<16xf32>
        %sub3A_279 = arith.subf %scan3A_221, %add3A_259 : vector<16xf32>
        %sub3A_280 = arith.subf %scan3A_220, %sub3A_262 : vector<16xf32>
        %sub3A_281 = arith.subf %scan3A_222, %add3A_265 : vector<16xf32>
        scf.yield %sub3A_278, %sub3A_280, %sub3A_279, %sub3A_281, %add3A_266, %add3A_268, %add3A_267, %add3A_269, %add3A_271, %add3A_275, %add3A_273, %add3A_277 : vector<16xf32>, vector<16xf32>, vector<16xf32>, vector<16xf32>, vector<16xf32>, vector<16xf32>, vector<16xf32>, vector<16xf32>, vector<16xf32>, vector<16xf32>, vector<16xf32>, vector<16xf32>
      }
      %scan3A_201 = arith.constant 128 : i32
      %add3A_202 = arith.constant 1 : i32
      %add3A_203 = arith.addi %mul3A_182, %add3A_202 : i32
      %mul3A_204 = arith.constant 128 : i32
      %mul3A_205 = arith.muli %add3A_203, %mul3A_204 : i32
      %dma_wait3A_206 = tpu.memref_slice %arg5[%mul3A_205] : memref<2048xi32, #tpu.memory_space<vmem>> -> memref<128xi32, #tpu.memory_space<vmem>>
      %dma_wait3A_207 = arith.constant 0 : i32
      %dma_wait3A_208 = arith.constant 0 : i32
      %dma_wait3A_209 = tpu.memref_slice %arg2[%dma_wait3A_207, %dma_wait3A_208] : memref<2048x128xf32, #tpu.memory_space<hbm>> -> memref<2048x128xf32, #tpu.memory_space<hbm>>
      tpu.wait_indirect_dma semaphore(%arg10 : memref<!tpu.dma_semaphore, #tpu.memory_space<semaphore_mem>>) src(%dma_wait3A_209 : memref<2048x128xf32, #tpu.memory_space<hbm>>) dst(%arg7 : memref<128x128xf32, #tpu.memory_space<vmem>>)
      %lt3A = arith.constant 7 : i32
      %lt3A_210 = arith.cmpi slt, %scan3A_168, %lt3A : i32
      %convert_element_type3A = arith.extui %lt3A_210 : i1 to i32
      %cond3A = arith.constant 0 : i32
      %cond3A_211 = arith.cmpi ne, %convert_element_type3A, %cond3A : i32
      scf.if %cond3A_211 {
        %add3A_218 = arith.constant 2 : i32
        %add3A_219 = arith.addi %mul3A_182, %add3A_218 : i32
        %mul3A_220 = arith.constant 128 : i32
        %mul3A_221 = arith.muli %add3A_219, %mul3A_220 : i32
        %dma_start3A_222 = tpu.memref_slice %arg5[%mul3A_221] : memref<2048xi32, #tpu.memory_space<vmem>> -> memref<128xi32, #tpu.memory_space<vmem>>
        %dma_start3A_223 = arith.constant 0 : i32
        %dma_start3A_224 = arith.constant 0 : i32
        %dma_start3A_225 = tpu.memref_slice %arg2[%dma_start3A_223, %dma_start3A_224] : memref<2048x128xf32, #tpu.memory_space<hbm>> -> memref<2048x128xf32, #tpu.memory_space<hbm>>
        tpu.enqueue_indirect_dma source(%dma_start3A_225 : memref<2048x128xf32, #tpu.memory_space<hbm>>) target(%arg6 : memref<128x128xf32, #tpu.memory_space<vmem>>) offsets(%dma_start3A_222 : memref<128xi32, #tpu.memory_space<vmem>>) semaphore(%arg9 : memref<!tpu.dma_semaphore, #tpu.memory_space<semaphore_mem>>)
      } else {
      }
      %scan3A_212 = arith.constant 0 : i32
      %scan3A_213 = arith.constant 128 : i32
      %scan3A_214 = arith.addi %scan3A_212, %scan3A_213 : i32
      %scan3A_215 = arith.constant 1 : i32
      %scan3A_216:12 = scf.for %scan3A_218 = %scan3A_212 to %scan3A_214 step %scan3A_215 iter_args(%scan3A_219 = %scan3A_200#0, %scan3A_220 = %scan3A_200#1, %scan3A_221 = %scan3A_200#2, %scan3A_222 = %scan3A_200#3, %scan3A_223 = %scan3A_200#4, %scan3A_224 = %scan3A_200#5, %scan3A_225 = %scan3A_200#6, %scan3A_226 = %scan3A_200#7, %scan3A_227 = %scan3A_200#8, %scan3A_228 = %scan3A_200#9, %scan3A_229 = %scan3A_200#10, %scan3A_230 = %scan3A_200#11) -> (vector<16xf32>, vector<16xf32>, vector<16xf32>, vector<16xf32>, vector<16xf32>, vector<16xf32>, vector<16xf32>, vector<16xf32>, vector<16xf32>, vector<16xf32>, vector<16xf32>, vector<16xf32>)  : i32 {
        %get3A = arith.index_cast %scan3A_218 : i32 to index
        %get3A_231 = arith.constant 0 : index
        %get3A_232 = tpu.vector_load %arg7[%get3A, %get3A_231] {strides = array<i32>} : memref<128x128xf32, #tpu.memory_space<vmem>>, vector<1x16xf32>,
        %get3A_233 = vector.shape_cast %get3A_232 : vector<1x16xf32> to vector<16xf32>
        %get3A_234 = arith.index_cast %scan3A_218 : i32 to index
        %get3A_235 = arith.constant 16 : index
        %get3A_236 = tpu.vector_load %arg7[%get3A_234, %get3A_235] {strides = array<i32>} : memref<128x128xf32, #tpu.memory_space<vmem>>, vector<1x16xf32>,
        %get3A_237 = vector.shape_cast %get3A_236 : vector<1x16xf32> to vector<16xf32>
        %get3A_238 = arith.index_cast %scan3A_218 : i32 to index
        %get3A_239 = arith.constant 32 : index
        %get3A_240 = tpu.vector_load %arg7[%get3A_238, %get3A_239] {strides = array<i32>} : memref<128x128xf32, #tpu.memory_space<vmem>>, vector<1x16xf32>,
        %get3A_241 = vector.shape_cast %get3A_240 : vector<1x16xf32> to vector<16xf32>
        %get3A_242 = arith.index_cast %scan3A_218 : i32 to index
        %get3A_243 = arith.constant 48 : index
        %get3A_244 = tpu.vector_load %arg7[%get3A_242, %get3A_243] {strides = array<i32>} : memref<128x128xf32, #tpu.memory_space<vmem>>, vector<1x16xf32>,
        %get3A_245 = vector.shape_cast %get3A_244 : vector<1x16xf32> to vector<16xf32>
        %get3A_246 = arith.index_cast %scan3A_218 : i32 to index
        %get3A_247 = arith.constant 64 : index
        %get3A_248 = tpu.vector_load %arg7[%get3A_246, %get3A_247] {strides = array<i32>} : memref<128x128xf32, #tpu.memory_space<vmem>>, vector<1x16xf32>,
        %get3A_249 = vector.shape_cast %get3A_248 : vector<1x16xf32> to vector<16xf32>
        %get3A_250 = arith.index_cast %scan3A_218 : i32 to index
        %get3A_251 = arith.constant 80 : index
        %get3A_252 = tpu.vector_load %arg7[%get3A_250, %get3A_251] {strides = array<i32>} : memref<128x128xf32, #tpu.memory_space<vmem>>, vector<1x16xf32>,
        %get3A_253 = vector.shape_cast %get3A_252 : vector<1x16xf32> to vector<16xf32>
        %mul3A_254 = arith.mulf %get3A_233, %scan3A_219 : vector<16xf32>
        %mul3A_255 = arith.mulf %get3A_241, %scan3A_221 : vector<16xf32>
        %sub3A_256 = arith.subf %mul3A_254, %mul3A_255 : vector<16xf32>
        %mul3A_257 = arith.mulf %get3A_233, %scan3A_221 : vector<16xf32>
        %mul3A_258 = arith.mulf %get3A_241, %scan3A_219 : vector<16xf32>
        %add3A_259 = arith.addf %mul3A_257, %mul3A_258 : vector<16xf32>
        %mul3A_260 = arith.mulf %get3A_237, %scan3A_220 : vector<16xf32>
        %mul3A_261 = arith.mulf %get3A_245, %scan3A_222 : vector<16xf32>
        %sub3A_262 = arith.subf %mul3A_260, %mul3A_261 : vector<16xf32>
        %mul3A_263 = arith.mulf %get3A_237, %scan3A_222 : vector<16xf32>
        %mul3A_264 = arith.mulf %get3A_245, %scan3A_220 : vector<16xf32>
        %add3A_265 = arith.addf %mul3A_263, %mul3A_264 : vector<16xf32>
        %add3A_266 = arith.addf %scan3A_223, %sub3A_256 : vector<16xf32>
        %add3A_267 = arith.addf %scan3A_225, %add3A_259 : vector<16xf32>
        %add3A_268 = arith.addf %scan3A_224, %sub3A_262 : vector<16xf32>
        %add3A_269 = arith.addf %scan3A_226, %add3A_265 : vector<16xf32>
        %mul3A_270 = arith.mulf %sub3A_256, %get3A_249 : vector<16xf32>
        %add3A_271 = arith.addf %scan3A_227, %mul3A_270 : vector<16xf32>
        %mul3A_272 = arith.mulf %add3A_259, %get3A_249 : vector<16xf32>
        %add3A_273 = arith.addf %scan3A_229, %mul3A_272 : vector<16xf32>
        %mul3A_274 = arith.mulf %sub3A_262, %get3A_253 : vector<16xf32>
        %add3A_275 = arith.addf %scan3A_228, %mul3A_274 : vector<16xf32>
        %mul3A_276 = arith.mulf %add3A_265, %get3A_253 : vector<16xf32>
        %add3A_277 = arith.addf %scan3A_230, %mul3A_276 : vector<16xf32>
        %sub3A_278 = arith.subf %scan3A_219, %sub3A_256 : vector<16xf32>
        %sub3A_279 = arith.subf %scan3A_221, %add3A_259 : vector<16xf32>
        %sub3A_280 = arith.subf %scan3A_220, %sub3A_262 : vector<16xf32>
        %sub3A_281 = arith.subf %scan3A_222, %add3A_265 : vector<16xf32>
        scf.yield %sub3A_278, %sub3A_280, %sub3A_279, %sub3A_281, %add3A_266, %add3A_268, %add3A_267, %add3A_269, %add3A_271, %add3A_275, %add3A_273, %add3A_277 : vector<16xf32>, vector<16xf32>, vector<16xf32>, vector<16xf32>, vector<16xf32>, vector<16xf32>, vector<16xf32>, vector<16xf32>, vector<16xf32>, vector<16xf32>, vector<16xf32>, vector<16xf32>
      }
      %scan3A_217 = arith.constant 128 : i32
      scf.yield %scan3A_216#0, %scan3A_216#1, %scan3A_216#2, %scan3A_216#3, %scan3A_216#4, %scan3A_216#5, %scan3A_216#6, %scan3A_216#7, %scan3A_216#8, %scan3A_216#9, %scan3A_216#10, %scan3A_216#11 : vector<16xf32>, vector<16xf32>, vector<16xf32>, vector<16xf32>, vector<16xf32>, vector<16xf32>, vector<16xf32>, vector<16xf32>, vector<16xf32>, vector<16xf32>, vector<16xf32>, vector<16xf32>
    }
    %scan3A_143 = arith.constant 8 : i32
    %add3A_144 = arith.constant 1.000000e+00 : f32
    %add3A_145 = vector.broadcast %add3A_144 : f32 to vector<16xf32>
    %add3A_146 = arith.addf %scan3A_142#8, %add3A_145 : vector<16xf32>
    %sub3A_147 = arith.subf %add3A_146, %scan3A_142#4 : vector<16xf32>
    %add3A_148 = arith.constant 1.000000e+00 : f32
    %add3A_149 = vector.broadcast %add3A_148 : f32 to vector<16xf32>
    %add3A_150 = arith.addf %scan3A_142#9, %add3A_149 : vector<16xf32>
    %sub3A_151 = arith.subf %add3A_150, %scan3A_142#5 : vector<16xf32>
    %sub3A_152 = arith.subf %scan3A_142#10, %scan3A_142#6 : vector<16xf32>
    %sub3A_153 = arith.subf %scan3A_142#11, %scan3A_142#7 : vector<16xf32>
    %mul3A_154 = arith.mulf %sub3A_147, %sub3A_147 : vector<16xf32>
    %mul3A_155 = arith.mulf %sub3A_152, %sub3A_152 : vector<16xf32>
    %add3A_156 = arith.addf %mul3A_154, %mul3A_155 : vector<16xf32>
    %swap3A_157 = arith.constant 0 : index
    %swap3A_158 = tpu.vector_load %arg8[%swap3A_157] {strides = array<i32>} : memref<32xf32, #tpu.memory_space<vmem>>, vector<16xf32>,
    %swap3A_159 = vector.shape_cast %swap3A_158 : vector<16xf32> to vector<16xf32>
    %swap3A_160 = vector.shape_cast %add3A_156 : vector<16xf32> to vector<16xf32>
    tpu.vector_store %arg8[%swap3A_157], %swap3A_160 {strides = array<i32>} : memref<32xf32, #tpu.memory_space<vmem>>, vector<16xf32>,
    %mul3A_161 = arith.mulf %sub3A_151, %sub3A_151 : vector<16xf32>
    %mul3A_162 = arith.mulf %sub3A_153, %sub3A_153 : vector<16xf32>
    %add3A_163 = arith.addf %mul3A_161, %mul3A_162 : vector<16xf32>
    %swap3A_164 = arith.constant 16 : index
    %swap3A_165 = tpu.vector_load %arg8[%swap3A_164] {strides = array<i32>} : memref<32xf32, #tpu.memory_space<vmem>>, vector<16xf32>,
    %swap3A_166 = vector.shape_cast %swap3A_165 : vector<16xf32> to vector<16xf32>
    %swap3A_167 = vector.shape_cast %add3A_163 : vector<16xf32> to vector<16xf32>
    tpu.vector_store %arg8[%swap3A_164], %swap3A_167 {strides = array<i32>} : memref<32xf32, #tpu.memory_space<vmem>>, vector<16xf32>,
    "tpu.region"() ({
      %run_scoped3A = tpu.sem_alloc : memref<!tpu.dma_semaphore, #tpu.memory_space<semaphore_mem>>
      %dma_start3A_168 = arith.constant 0 : i32
      %dma_start3A_169 = tpu.memref_slice %arg4[%add3A_128, %dma_start3A_168] : memref<128x32xf32, #tpu.memory_space<hbm>> -> memref<1x32xf32, #tpu.memory_space<hbm>>
      %dma_start3A_170 = tpu.memref_squeeze %dma_start3A_169 : memref<1x32xf32, #tpu.memory_space<hbm>> -> memref<32xf32, #tpu.memory_space<hbm>>
      %dma_start3A_171 = arith.constant 0 : i32
      %dma_start3A_172 = tpu.memref_slice %arg4[%add3A_128, %dma_start3A_171] : memref<128x32xf32, #tpu.memory_space<hbm>> -> memref<1x32xf32, #tpu.memory_space<hbm>>
      %dma_start3A_173 = tpu.memref_squeeze %dma_start3A_172 : memref<1x32xf32, #tpu.memory_space<hbm>> -> memref<32xf32, #tpu.memory_space<hbm>>
      tpu.enqueue_dma source(%arg8 : memref<32xf32, #tpu.memory_space<vmem>>) target(%dma_start3A_173 : memref<32xf32, #tpu.memory_space<hbm>>) target_semaphore(%run_scoped3A : memref<!tpu.dma_semaphore, #tpu.memory_space<semaphore_mem>>)
      %dma_wait3A = arith.constant 0 : i32
      %dma_wait3A_174 = tpu.memref_slice %arg4[%add3A_128, %dma_wait3A] : memref<128x32xf32, #tpu.memory_space<hbm>> -> memref<1x32xf32, #tpu.memory_space<hbm>>
      %dma_wait3A_175 = tpu.memref_squeeze %dma_wait3A_174 : memref<1x32xf32, #tpu.memory_space<hbm>> -> memref<32xf32, #tpu.memory_space<hbm>>
      %dma_wait3A_176 = arith.constant 0 : i32
      %dma_wait3A_177 = tpu.memref_slice %arg4[%add3A_128, %dma_wait3A_176] : memref<128x32xf32, #tpu.memory_space<hbm>> -> memref<1x32xf32, #tpu.memory_space<hbm>>
      %dma_wait3A_178 = tpu.memref_squeeze %dma_wait3A_177 : memref<1x32xf32, #tpu.memory_space<hbm>> -> memref<32xf32, #tpu.memory_space<hbm>>
      tpu.wait_dma2 semaphore(%run_scoped3A : memref<!tpu.dma_semaphore, #tpu.memory_space<semaphore_mem>>) src(%arg8 : memref<32xf32, #tpu.memory_space<vmem>>) dst(%dma_wait3A_178 : memref<32xf32, #tpu.memory_space<hbm>>)
      tpu.yield
    }) : () -> ()
    return
  }
}

module attributes {stable_mosaic.version = 14 : i64} {
  func.func @_sort_body(%arg0: memref<128x2048xf32, #tpu.memory_space<vmem>>, %arg1: memref<128x2048xi32, #tpu.memory_space<vmem>>) attributes {dimension_semantics = [], scalar_prefetch = 0 : i64, scratch_operands = 0 : i64, tpu.core_type = #tpu.core_type<tc>} {
    %iota3A = tpu.iota {dimensions = array<i32: 1>} : vector<1x2048xi32>
    %get3A = arith.constant 0 : index
    %get3A_0 = arith.constant 0 : index
    %get3A_1 = vector.load %arg0[%get3A, %get3A_0] : memref<128x2048xf32, #tpu.memory_space<vmem>>, vector<128x2048xf32>
    %iota3A_2 = tpu.iota {dimensions = array<i32: 1>} : vector<128x2048xi32>
    %scan3A = arith.constant 1 : i32
    %scan3A_3 = arith.constant 0 : i32
    %scan3A_4 = arith.constant 0 : i32
    %scan3A_5 = arith.constant 66 : i32
    %scan3A_6 = arith.addi %scan3A_4, %scan3A_5 : i32
    %scan3A_7 = arith.constant 1 : i32
    %scan3A_8:4 = scf.for %scan3A_11 = %scan3A_4 to %scan3A_6 step %scan3A_7 iter_args(%scan3A_12 = %scan3A, %scan3A_13 = %scan3A_3, %scan3A_14 = %get3A_1, %scan3A_15 = %iota3A_2) -> (i32, i32, vector<128x2048xf32>, vector<128x2048xi32>)  : i32 {
      %shift_left3A = arith.constant 1 : i32
      %shift_left3A_16 = arith.shli %shift_left3A, %scan3A_13 : i32
      %and3A = vector.broadcast %shift_left3A_16 : i32 to vector<1x2048xi32>
      %and3A_17 = arith.andi %iota3A, %and3A : vector<1x2048xi32>
      %eq3A = arith.constant 0 : i32
      %eq3A_18 = vector.broadcast %eq3A : i32 to vector<1x2048xi32>
      %eq3A_19 = arith.cmpi eq, %and3A_17, %eq3A_18 : vector<1x2048xi32>
      %shift_left3A_20 = arith.constant 1 : i32
      %shift_left3A_21 = arith.shli %shift_left3A_20, %scan3A_12 : i32
      %and3A_22 = vector.broadcast %shift_left3A_21 : i32 to vector<1x2048xi32>
      %and3A_23 = arith.andi %iota3A, %and3A_22 : vector<1x2048xi32>
      %eq3A_24 = arith.constant 0 : i32
      %eq3A_25 = vector.broadcast %eq3A_24 : i32 to vector<1x2048xi32>
      %eq3A_26 = arith.cmpi eq, %and3A_23, %eq3A_25 : vector<1x2048xi32>
      %eq3A_27 = arith.xori %eq3A_26, %eq3A_19 : vector<1x2048xi1>
      %eq3A_28 = arith.constant dense<true> : vector<1x2048xi1>
      %eq3A_29 = arith.xori %eq3A_27, %eq3A_28 : vector<1x2048xi1>
      %sub3A = arith.constant 2048 : i32
      %sub3A_30 = arith.subi %sub3A, %shift_left3A_16 : i32
      %roll3A = tpu.dynamic_rotate %scan3A_14 by %sub3A_30 dim 1 : vector<128x2048xf32>, i32 -> vector<128x2048xf32>
      %roll3A_31 = tpu.dynamic_rotate %scan3A_14 by %shift_left3A_16 dim 1 : vector<128x2048xf32>, i32 -> vector<128x2048xf32>
      %broadcast_in_dim3A = vector.shape_cast %eq3A_19 : vector<1x2048xi1> to vector<1x2048xi1>
      %broadcast_in_dim3A_32 = vector.broadcast %broadcast_in_dim3A : vector<1x2048xi1> to vector<128x2048xi1>
      %select_n3A = arith.select %broadcast_in_dim3A_32, %roll3A, %roll3A_31 : vector<128x2048xi1>, vector<128x2048xf32>
      %sub3A_33 = arith.constant 2048 : i32
      %sub3A_34 = arith.subi %sub3A_33, %shift_left3A_16 : i32
      %roll3A_35 = tpu.dynamic_rotate %scan3A_15 by %sub3A_34 dim 1 : vector<128x2048xi32>, i32 -> vector<128x2048xi32>
      %roll3A_36 = tpu.dynamic_rotate %scan3A_15 by %shift_left3A_16 dim 1 : vector<128x2048xi32>, i32 -> vector<128x2048xi32>
      %broadcast_in_dim3A_37 = vector.shape_cast %eq3A_19 : vector<1x2048xi1> to vector<1x2048xi1>
      %broadcast_in_dim3A_38 = vector.broadcast %broadcast_in_dim3A_37 : vector<1x2048xi1> to vector<128x2048xi1>
      %select_n3A_39 = arith.select %broadcast_in_dim3A_38, %roll3A_35, %roll3A_36 : vector<128x2048xi1>, vector<128x2048xi32>
      %lt3A = arith.cmpf olt, %scan3A_14, %select_n3A : vector<128x2048xf32>
      %eq3A_40 = arith.cmpf oeq, %scan3A_14, %select_n3A : vector<128x2048xf32>
      %lt3A_41 = arith.cmpi slt, %scan3A_15, %select_n3A_39 : vector<128x2048xi32>
      %and3A_42 = arith.andi %eq3A_40, %lt3A_41 : vector<128x2048xi1>
      %or3A = arith.ori %lt3A, %and3A_42 : vector<128x2048xi1>
      %eq3A_43 = vector.broadcast %eq3A_29 : vector<1x2048xi1> to vector<128x2048xi1>
      %eq3A_44 = vector.broadcast %eq3A_43 : vector<128x2048xi1> to vector<128x2048xi1>
      %eq3A_45 = arith.xori %or3A, %eq3A_44 : vector<128x2048xi1>
      %eq3A_46 = arith.constant dense<true> : vector<128x2048xi1>
      %eq3A_47 = arith.xori %eq3A_45, %eq3A_46 : vector<128x2048xi1>
      %select_n3A_48 = arith.select %eq3A_47, %scan3A_14, %select_n3A : vector<128x2048xi1>, vector<128x2048xf32>
      %select_n3A_49 = arith.select %eq3A_47, %scan3A_15, %select_n3A_39 : vector<128x2048xi1>, vector<128x2048xi32>
      %eq3A_50 = arith.constant 0 : i32
      %eq3A_51 = arith.cmpi eq, %scan3A_13, %eq3A_50 : i32
      %add3A = arith.constant 1 : i32
      %add3A_52 = arith.addi %scan3A_12, %add3A : i32
      %select_n3A_53 = arith.select %eq3A_51, %add3A_52, %scan3A_12 : i32
      %sub3A_54 = arith.constant 1 : i32
      %sub3A_55 = arith.subi %scan3A_13, %sub3A_54 : i32
      %select_n3A_56 = arith.select %eq3A_51, %scan3A_12, %sub3A_55 : i32
      scf.yield %select_n3A_53, %select_n3A_56, %select_n3A_48, %select_n3A_49 : i32, i32, vector<128x2048xf32>, vector<128x2048xi32>
    }
    %swap3A = arith.constant 0 : index
    %swap3A_9 = arith.constant 0 : index
    %swap3A_10 = vector.load %arg1[%swap3A, %swap3A_9] : memref<128x2048xi32, #tpu.memory_space<vmem>>, vector<128x2048xi32>
    tpu.vector_store %arg1[%swap3A, %swap3A_9], %scan3A_8#3 {strides = array<i32>} : memref<128x2048xi32, #tpu.memory_space<vmem>>, vector<128x2048xi32>,
    return
  }
}

module attributes {stable_mosaic.version = 14 : i64} {
  func.func @_prep_body(%arg0: memref<2048x8xf32, #tpu.memory_space<vmem>>, %arg1: memref<2048x32xf32, #tpu.memory_space<vmem>>, %arg2: memref<2048x32xf32, #tpu.memory_space<vmem>>, %arg3: memref<2048x32xf32, #tpu.memory_space<vmem>>, %arg4: memref<2048x128xf32, #tpu.memory_space<vmem>>) attributes {dimension_semantics = [], scalar_prefetch = 0 : i64, scratch_operands = 0 : i64, tpu.core_type = #tpu.core_type<tc>} {
    %get3A = arith.constant 0 : index
    %get3A_0 = arith.constant 0 : index
    %get3A_1 = vector.load %arg0[%get3A, %get3A_0] : memref<2048x8xf32, #tpu.memory_space<vmem>>, vector<2048x1xf32>
    %get3A_2 = arith.constant 0 : index
    %get3A_3 = arith.constant 1 : index
    %get3A_4 = vector.load %arg0[%get3A_2, %get3A_3] : memref<2048x8xf32, #tpu.memory_space<vmem>>, vector<2048x1xf32>
    %get3A_5 = arith.constant 0 : index
    %get3A_6 = arith.constant 2 : index
    %get3A_7 = vector.load %arg0[%get3A_5, %get3A_6] : memref<2048x8xf32, #tpu.memory_space<vmem>>, vector<2048x1xf32>
    %get3A_8 = arith.constant 0 : index
    %get3A_9 = arith.constant 3 : index
    %get3A_10 = vector.load %arg0[%get3A_8, %get3A_9] : memref<2048x8xf32, #tpu.memory_space<vmem>>, vector<2048x1xf32>
    %get3A_11 = arith.constant 0 : index
    %get3A_12 = arith.constant 4 : index
    %get3A_13 = vector.load %arg0[%get3A_11, %get3A_12] : memref<2048x8xf32, #tpu.memory_space<vmem>>, vector<2048x1xf32>
    %get3A_14 = arith.constant 0 : index
    %get3A_15 = arith.constant 5 : index
    %get3A_16 = vector.load %arg0[%get3A_14, %get3A_15] : memref<2048x8xf32, #tpu.memory_space<vmem>>, vector<2048x1xf32>
    %iota3A = tpu.iota {dimensions = array<i32: 1>} : vector<2048x32xi32>
    %jit3A = arith.constant 4 : i32
    %eq3A = arith.constant 0 : i32
    %eq3A_17 = arith.cmpi eq, %jit3A, %eq3A : i32
    %jit3A_18 = arith.constant 1 : i32
    %select_n3A = arith.select %eq3A_17, %jit3A_18, %jit3A : i32
    %rem3A = vector.broadcast %select_n3A : i32 to vector<2048x32xi32>
    %rem3A_19 = arith.remsi %iota3A, %rem3A : vector<2048x32xi32>
    %ne3A = arith.constant 0 : i32
    %ne3A_20 = vector.broadcast %ne3A : i32 to vector<2048x32xi32>
    %ne3A_21 = arith.cmpi ne, %rem3A_19, %ne3A_20 : vector<2048x32xi32>
    %lt3A = arith.constant 0 : i32
    %lt3A_22 = vector.broadcast %lt3A : i32 to vector<2048x32xi32>
    %lt3A_23 = arith.cmpi slt, %rem3A_19, %lt3A_22 : vector<2048x32xi32>
    %lt3A_24 = arith.constant 0 : i32
    %lt3A_25 = arith.cmpi slt, %select_n3A, %lt3A_24 : i32
    %ne3A_26 = vector.broadcast %lt3A_25 : i1 to vector<2048x32xi1>
    %ne3A_27 = vector.broadcast %ne3A_26 : vector<2048x32xi1> to vector<2048x32xi1>
    %ne3A_28 = arith.xori %lt3A_23, %ne3A_27 : vector<2048x32xi1>
    %and3A = arith.andi %ne3A_28, %ne3A_21 : vector<2048x32xi1>
    %add3A = vector.broadcast %select_n3A : i32 to vector<2048x32xi32>
    %add3A_29 = arith.addi %rem3A_19, %add3A : vector<2048x32xi32>
    %select_n3A_30 = arith.select %and3A, %add3A_29, %rem3A_19 : vector<2048x32xi1>, vector<2048x32xi32>
    %convert_element_type3A = arith.sitofp %select_n3A_30 : vector<2048x32xi32> to vector<2048x32xf32>
    %jit3A_31 = arith.constant 4 : i32
    %div3A = vector.broadcast %jit3A_31 : i32 to vector<2048x32xi32>
    %div3A_32 = arith.divsi %iota3A, %div3A : vector<2048x32xi32>
    %sign3A = arith.constant 0 : i32
    %sign3A_33 = vector.broadcast %sign3A : i32 to vector<2048x32xi32>
    %sign3A_34 = arith.cmpi sgt, %iota3A, %sign3A_33 : vector<2048x32xi32>
    %sign3A_35 = arith.extui %sign3A_34 : vector<2048x32xi1> to vector<2048x32xi32>
    %sign3A_36 = arith.constant 0 : i32
    %sign3A_37 = vector.broadcast %sign3A_36 : i32 to vector<2048x32xi32>
    %sign3A_38 = arith.cmpi slt, %iota3A, %sign3A_37 : vector<2048x32xi32>
    %sign3A_39 = arith.extui %sign3A_38 : vector<2048x32xi1> to vector<2048x32xi32>
    %sign3A_40 = arith.subi %sign3A_35, %sign3A_39 : vector<2048x32xi32>
    %sign3A_41 = arith.constant 0 : i32
    %sign3A_42 = arith.cmpi sgt, %jit3A_31, %sign3A_41 : i32
    %sign3A_43 = arith.extui %sign3A_42 : i1 to i32
    %sign3A_44 = arith.constant 0 : i32
    %sign3A_45 = arith.cmpi slt, %jit3A_31, %sign3A_44 : i32
    %sign3A_46 = arith.extui %sign3A_45 : i1 to i32
    %sign3A_47 = arith.subi %sign3A_43, %sign3A_46 : i32
    %ne3A_48 = vector.broadcast %sign3A_47 : i32 to vector<2048x32xi32>
    %ne3A_49 = arith.cmpi ne, %sign3A_40, %ne3A_48 : vector<2048x32xi32>
    %rem3A_50 = vector.broadcast %jit3A_31 : i32 to vector<2048x32xi32>
    %rem3A_51 = arith.remsi %iota3A, %rem3A_50 : vector<2048x32xi32>
    %ne3A_52 = arith.constant 0 : i32
    %ne3A_53 = vector.broadcast %ne3A_52 : i32 to vector<2048x32xi32>
    %ne3A_54 = arith.cmpi ne, %rem3A_51, %ne3A_53 : vector<2048x32xi32>
    %and3A_55 = arith.andi %ne3A_49, %ne3A_54 : vector<2048x32xi1>
    %sub3A = arith.constant 1 : i32
    %sub3A_56 = vector.broadcast %sub3A : i32 to vector<2048x32xi32>
    %sub3A_57 = arith.subi %div3A_32, %sub3A_56 : vector<2048x32xi32>
    %select_n3A_58 = arith.select %and3A_55, %sub3A_57, %div3A_32 : vector<2048x32xi1>, vector<2048x32xi32>
    %convert_element_type3A_59 = arith.sitofp %select_n3A_58 : vector<2048x32xi32> to vector<2048x32xf32>
    %sub3A_60 = vector.broadcast %get3A_1 : vector<2048x1xf32> to vector<2048x32xf32>
    %sub3A_61 = arith.subf %convert_element_type3A, %sub3A_60 : vector<2048x32xf32>
    %sub3A_62 = vector.broadcast %get3A_4 : vector<2048x1xf32> to vector<2048x32xf32>
    %sub3A_63 = arith.subf %convert_element_type3A_59, %sub3A_62 : vector<2048x32xf32>
    %mul3A = arith.mulf %sub3A_61, %sub3A_61 : vector<2048x32xf32>
    %mul3A_64 = vector.broadcast %get3A_7 : vector<2048x1xf32> to vector<2048x32xf32>
    %mul3A_65 = arith.mulf %mul3A, %mul3A_64 : vector<2048x32xf32>
    %mul3A_66 = arith.mulf %sub3A_63, %sub3A_63 : vector<2048x32xf32>
    %mul3A_67 = vector.broadcast %get3A_10 : vector<2048x1xf32> to vector<2048x32xf32>
    %mul3A_68 = arith.mulf %mul3A_66, %mul3A_67 : vector<2048x32xf32>
    %add3A_69 = arith.addf %mul3A_65, %mul3A_68 : vector<2048x32xf32>
    %mul3A_70 = arith.mulf %sub3A_61, %sub3A_63 : vector<2048x32xf32>
    %mul3A_71 = vector.broadcast %get3A_13 : vector<2048x1xf32> to vector<2048x32xf32>
    %mul3A_72 = arith.mulf %mul3A_70, %mul3A_71 : vector<2048x32xf32>
    %add3A_73 = arith.addf %add3A_69, %mul3A_72 : vector<2048x32xf32>
    %mul3A_74 = arith.constant -5.000000e-01 : f32
    %mul3A_75 = vector.broadcast %mul3A_74 : f32 to vector<2048x32xf32>
    %mul3A_76 = arith.mulf %mul3A_75, %add3A_73 : vector<2048x32xf32>
    %mul3A_77 = arith.constant 1.000000e-03 : f32
    %mul3A_78 = vector.broadcast %mul3A_77 : f32 to vector<2048x32xf32>
    %mul3A_79 = arith.mulf %mul3A_76, %mul3A_78 : vector<2048x32xf32>
    %exp3A = math.exp %mul3A_79 : vector<2048x32xf32>
    %get3A_80 = arith.constant 0 : index
    %get3A_81 = arith.constant 0 : index
    %get3A_82 = vector.load %arg3[%get3A_80, %get3A_81] : memref<2048x32xf32, #tpu.memory_space<vmem>>, vector<2048x32xf32>
    %mul3A_83 = vector.broadcast %get3A_16 : vector<2048x1xf32> to vector<2048x32xf32>
    %mul3A_84 = arith.mulf %mul3A_83, %get3A_82 : vector<2048x32xf32>
    %mul3A_85 = arith.mulf %mul3A_84, %exp3A : vector<2048x32xf32>
    %mul3A_86 = arith.mulf %mul3A_85, %exp3A : vector<2048x32xf32>
    %min3A = arith.constant 9.900000e-01 : f32
    %min3A_87 = vector.broadcast %min3A : f32 to vector<2048x32xf32>
    %min3A_88 = arith.minimumf %mul3A_86, %min3A_87 : vector<2048x32xf32>
    %get3A_89 = arith.constant 0 : index
    %get3A_90 = arith.constant 0 : index
    %get3A_91 = vector.load %arg1[%get3A_89, %get3A_90] : memref<2048x32xf32, #tpu.memory_space<vmem>>, vector<2048x32xf32>
    %cos3A = math.cos %get3A_91 : vector<2048x32xf32>
    %mul3A_92 = arith.mulf %min3A_88, %cos3A : vector<2048x32xf32>
    %swap3A = arith.constant 0 : index
    %swap3A_93 = arith.constant 0 : index
    %swap3A_94 = vector.load %arg4[%swap3A, %swap3A_93] : memref<2048x128xf32, #tpu.memory_space<vmem>>, vector<2048x32xf32>
    tpu.vector_store %arg4[%swap3A, %swap3A_93], %mul3A_92 {strides = array<i32>} : memref<2048x128xf32, #tpu.memory_space<vmem>>, vector<2048x32xf32>,
    %sin3A = math.sin %get3A_91 : vector<2048x32xf32>
    %mul3A_95 = arith.mulf %min3A_88, %sin3A : vector<2048x32xf32>
    %swap3A_96 = arith.constant 0 : index
    %swap3A_97 = arith.constant 32 : index
    %swap3A_98 = vector.load %arg4[%swap3A_96, %swap3A_97] : memref<2048x128xf32, #tpu.memory_space<vmem>>, vector<2048x32xf32>
    tpu.vector_store %arg4[%swap3A_96, %swap3A_97], %mul3A_95 {strides = array<i32>} : memref<2048x128xf32, #tpu.memory_space<vmem>>, vector<2048x32xf32>,
    %get3A_99 = arith.constant 0 : index
    %get3A_100 = arith.constant 0 : index
    %get3A_101 = vector.load %arg2[%get3A_99, %get3A_100] : memref<2048x32xf32, #tpu.memory_space<vmem>>, vector<2048x32xf32>
    %swap3A_102 = arith.constant 0 : index
    %swap3A_103 = arith.constant 64 : index
    %swap3A_104 = vector.load %arg4[%swap3A_102, %swap3A_103] : memref<2048x128xf32, #tpu.memory_space<vmem>>, vector<2048x32xf32>
    tpu.vector_store %arg4[%swap3A_102, %swap3A_103], %get3A_101 {strides = array<i32>} : memref<2048x128xf32, #tpu.memory_space<vmem>>, vector<2048x32xf32>,
    %broadcast_in_dim3A = arith.constant 0.000000e+00 : f32
    %broadcast_in_dim3A_105 = vector.broadcast %broadcast_in_dim3A : f32 to vector<2048x32xf32>
    %swap3A_106 = arith.constant 0 : index
    %swap3A_107 = arith.constant 96 : index
    %swap3A_108 = vector.load %arg4[%swap3A_106, %swap3A_107] : memref<2048x128xf32, #tpu.memory_space<vmem>>, vector<2048x32xf32>
    tpu.vector_store %arg4[%swap3A_106, %swap3A_107], %broadcast_in_dim3A_105 {strides = array<i32>} : memref<2048x128xf32, #tpu.memory_space<vmem>>, vector<2048x32xf32>,
    return
  }
}

</mosaic_0001>

<sc_bundles>
// kernel: kernel.5.cloned.1.call-start
scs
__scs_entry_jumppad:
0x0: {  	(pc) =	sbr.rel $0x88, $3  }
0x1: {  	(tag) =	ssettag $0x0;
	lr =	simm.s32 $0x1  }
0x2: {  	[smem:$0x3F9A] =	sst lr;
	_ =	strace $0xD0000000  }
0x3: {  	_ = 	snop  }
0x4: {  	_ = 	snop  }
0x5: {  	_ = 	snop  }
0x6: {  	_ = 	snop  }
0x7: {  	_ = 	snop  }
__scs_overlays_trampoline_lowered:
0x8: {  	[smem:$0x3FA9] =	sst s0  }
0x9: {  	[smem:$0x3FAA] =	sst s1  }
0xa: {  	[smem:$0x3FAB] =	sst s2  }
0xb: {  	[smem:$0x3FAC] =	sst s3  }
0xc: {  	[smem:$0x3FAD] =	sst s4  }
0xd: {  	[smem:$0x3FAE] =	sst s5  }
0xe: {  	[smem:$0x3FAF] =	sst s6  }
0xf: {  	[smem:$0x3FB0] =	sst s7  }
0x10: {  	[smem:$0x3FB1] =	sst s8  }
0x11: {  	[smem:$0x3FB2] =	sst s9;
	s0 =	simm.s32 @!p0 $0x0  }
0x12: {  	s1 =	sld [smem:$0x3F98];
	s0 =	simm.s32 @p0 $0x1  }
0x13: {  	[smem:$0x3FB3] =	sst s0;
	s0 =	simm.s32 @!p1 $0x0  }
0x14: {  	s2 =	sld [smem:$0x3F97];
	s0 =	simm.s32 @p1 $0x1  }
0x15: {  	[smem:$0x3FB4] =	sst s0;
	s0 =	simm.s32 @!p2 $0x0  }
0x16: {  	s3 =	sld [smem:$0x3FDB];
	s0 =	simm.s32 @p2 $0x1  }
0x17: {  	s4 =	simm.s32 $0x1BF5;
	[smem:$0x3FB6] =	sst s0  }
0x18: {  	s0 =	sld [smem:$0x3F99];
	_ =	swait.ge [sflag:s4], $0x0  }
0x19: {  	s7 =	sld [smem:$0x3F9A]  }
0x1a: {  	s8 =	sadd.s32 $0xFFFFE003, lr  }
0x1b: {  	s9 =	sadd.s32 $0xFFFFFEF7, lr;
	s5 =	simm.s32 $0xFFFFFFFF;
	p2 =	slt.u32 s8, $0xFFFFF086  }
0x1c: {  	p1 =	slt.u32 s9, $0xF7A;
	s5 =	simm.s32 @!p2 $0x0  }
0x1d: {  	s5 =	simm.s32 @p1 $0x1;
	p0 =	seq.s32 s7, s2  }
0x1e: {  	s7 =	smul.u32 @!p0 $0xF7A, s2;
	p2 =	seq.s32 @!p0 s5, $0x0  }
0x1f: {  	s9 =	smul.u32 $0xF7A, s1;
	s8 =	simm.s32 @!p0 $0x1BF5;
	p2 =	por !p2, p0  }
0x20: {  	[sflag:s8] =	ssyncset.s32 @!p0 $0xFFFFF086;
	s6 =	sadd.s32 @!p0 s3, s7;
	s7 =	simm.s32 @!p0 $0x108  }
0x21: {  	s3 =	sadd.s32 s3, s9;
	s6 =	sadd.s32 @!p0 $0x88, s6;
	s7 =	simm.s32 @p2 $0x1082  }
0x22: {  	[simem:s7], [sflag:s8] =	dma.local @!p0 [hbm:s6], $0xF7A  }
0x23: {  	s9 =	sor.u32 $0xD0000000, s2;
	s6 =	simm.s32 $0x108;
	_ =	swait.ge @!p0 [sflag:s8], $0x0  }
0x24: {  	s3 =	sadd.s32 $0x88, s3;
	s6 =	simm.s32 @!p1 $0x1082;
	[sflag:s4] =	ssyncset.s32 $0xFFFFF086  }
0x25: {  	[simem:s6], [sflag:s4] =	dma.local [hbm:s3], $0xF7A  }
0x26: {  	[smem:$0x3F9A] =	sst s1;
	(tag) =	ssettag s2;
	_ =	strace s9  }
0x27: {  	s1 =	sld [smem:$0x3FAA]  }
0x28: {  	s2 =	sld [smem:$0x3FAB]  }
0x29: {  	s4 =	sld [smem:$0x3FAD]  }
0x2a: {  	p0 =	seq.s32 s5, $0x0;
	s5 =	sld [smem:$0x3FAE]  }
0x2b: {  	s6 =	sld [smem:$0x3FAF]  }
0x2c: {  	s7 =	sld [smem:$0x3FB0]  }
0x2d: {  	s3 =	simm.s32 $0x108;
	s8 =	sld [smem:$0x3FB1]  }
0x2e: {  	s3 =	simm.s32 @!p0 $0x1082;
	s9 =	sld [smem:$0x3FB2]  }
0x2f: {  	lr =	sadd.s32 s0, s3;
	s0 =	sld [smem:$0x3FA9]  }
0x30: {  	s3 =	sld [smem:$0x3FAC]  }
0x31: {  	[smem:$0x3FB5] =	sst s10  }
0x32: {  	s10 =	sld [smem:$0x3FB3];
	_ =	sdelay $0x3  }
0x33: {  	p0 =	seq.s32 s10, $0x1;
	s10 =	sld [smem:$0x3FB5];
	_ =	sdelay $0x3  }
0x34: {  	[smem:$0x3FB5] =	sst s10  }
0x35: {  	s10 =	sld [smem:$0x3FB4];
	_ =	sdelay $0x3  }
0x36: {  	p1 =	seq.s32 s10, $0x1;
	s10 =	sld [smem:$0x3FB5];
	_ =	sdelay $0x3  }
0x37: {  	[smem:$0x3FB5] =	sst s10  }
0x38: {  	s10 =	sld [smem:$0x3FB6]  }
0x39: {  	_ = 	snop;
	(pc) =	sbr.ind lr, $3  }
0x3a: {  	_ = 	snop  }
0x3b: {  	_ = 	snop  }
0x3c: {  	p2 =	seq.s32 s10, $0x1;
	s10 =	sld [smem:$0x3FB5]  }
0x3d: {  	_ =	shalt  }
0x3e: {  	_ =	shalt  }
0x3f: {  	_ =	shalt  }
0x40: {  	_ =	shalt  }
0x41: {  	_ =	shalt  }
0x42: {  	_ =	shalt  }
0x43: {  	_ =	shalt  }
0x44: {  	_ =	shalt  }
0x45: {  	_ =	shalt  }
0x46: {  	_ =	shalt  }
0x47: {  	_ =	shalt  }
0x48: {  	_ =	shalt  }
0x49: {  	_ =	shalt  }
0x4a: {  	_ =	shalt  }
0x4b: {  	_ =	shalt  }
0x4c: {  	_ =	shalt  }
0x4d: {  	_ =	shalt  }
0x4e: {  	_ =	shalt  }
0x4f: {  	_ =	shalt  }
0x50: {  	_ =	shalt  }
0x51: {  	_ =	shalt  }
0x52: {  	_ =	shalt  }
0x53: {  	_ =	shalt  }
0x54: {  	_ =	shalt  }
0x55: {  	_ =	shalt  }
0x56: {  	_ =	shalt  }
0x57: {  	_ =	shalt  }
0x58: {  	_ =	shalt  }
0x59: {  	_ =	shalt  }
0x5a: {  	_ =	shalt  }
0x5b: {  	_ =	shalt  }
0x5c: {  	_ =	shalt  }
0x5d: {  	_ =	shalt  }
0x5e: {  	_ =	shalt  }
0x5f: {  	_ =	shalt  }
0x60: {  	_ =	shalt  }
0x61: {  	_ =	shalt  }
0x62: {  	_ =	shalt  }
0x63: {  	_ =	shalt  }
0x64: {  	_ =	shalt  }
0x65: {  	_ =	shalt  }
0x66: {  	_ =	shalt  }
0x67: {  	_ =	shalt  }
0x68: {  	_ =	shalt  }
0x69: {  	_ =	shalt  }
0x6a: {  	_ =	shalt  }
0x6b: {  	_ =	shalt  }
0x6c: {  	_ =	shalt  }
0x6d: {  	_ =	shalt  }
0x6e: {  	_ =	shalt  }
0x6f: {  	_ =	shalt  }
0x70: {  	_ =	shalt  }
0x71: {  	_ =	shalt  }
0x72: {  	_ =	shalt  }
0x73: {  	_ =	shalt  }
0x74: {  	_ =	shalt  }
0x75: {  	_ =	shalt  }
0x76: {  	_ =	shalt  }
0x77: {  	_ =	shalt  }
0x78: {  	_ =	shalt  }
0x79: {  	_ =	shalt  }
0x7a: {  	_ =	shalt  }
0x7b: {  	_ =	shalt  }
0x7c: {  	_ =	shalt  }
0x7d: {  	_ =	shalt  }
0x7e: {  	_ =	shalt  }
0x7f: {  	_ =	shalt  }
0x80: {  	_ =	shalt  }
0x81: {  	_ =	shalt  }
0x82: {  	_ =	shalt  }
0x83: {  	_ =	shalt  }
0x84: {  	_ =	shalt  }
0x85: {  	_ =	shalt  }
0x86: {  	_ =	shalt  }
0x87: {  	_ =	shalt  }
.Lfunc_end0:
.L_simem_size_0:
called_computation_lowered:
.L_overlay_start_0:
0x88: {  	s2 =	sld [smem:$0x3FD9]  }
0x89: {  	s3 =	sld [smem:$0x3FFE];
	_ =	sdelay $0x1  }
0x8a: {  	s1 =	srdreg.scid  }
0x8b: {  	s0 =	sand.u32 $0x1, s1  }
0x8c: {  	s16 =	sshll.u32 s0, $0xA;
	s2 =	sadd.s32 s3, s2  }
0x8d: {  	s2 =	sadd.s32 s2, s16  }
0x8e: {  	[smem:$0x3FC1] =	sst s2  }
0x8f: {  	_ = 	snop  }
0x90: {  	(tm) =	ssettm $0x1  }
0x91: {  	s17 =	sld [smem:$0x3FFB];
	_ =	sdelay $0x3  }
0x92: {  	_ =	strace s17  }
0x93: {  	s2 =	sld [smem:$0x3FFC];
	_ =	sdelay $0x3  }
0x94: {  	_ =	strace s2  }
0x95: {  	s2 =	sld [smem:$0x3FFD];
	_ =	sdelay $0x3  }
0x96: {  	_ =	strace s2  }
0x97: {  	_ =	strace $0x8FFFFFFF  }
0x98: {  	s18 =	sld [smem:$0x3FDB];
	_ =	sdelay $0x1  }
0x99: {  	s19 =	simm.s32 $_scs_section_size  }
0x9a: {  	s4 =	simm.s32 $_size__tile_overlayer_lowered;
	s5 =	simm.s32 $_tile_overlayer_lowered  }
0x9b: {  	s22 =	simm.s32 $0x1BFF;
	s21 =	sshll.u32 s5, $0x1;
	s2 =	sadd.s32 s19, s18  }
0x9c: {  	s6 =	simm.s32 $0x0;
	s20 =	sshll.u32 s4, $0x1;
	s4 =	sadd.s32 s21, s2  }
0x9d: {  	[timem:s6], [sflag:s22] =	dma.local [hbm:s4], s20  }
0x9e: {  	_ =	swait.ge [sflag:s22], s20  }
0x9f: {  	s3 =	ssub.s32 $0x0, s20;
	[sflag:s22] =	ssyncset.done $0x0  }
0xa0: {  	[sflag:s22] =	ssyncadd.s32 s3;
	_ =	sdelay $0x1  }
0xa1: {  	s23 =	simm.s32 $0x1B8B  }
0xa2: {  	_ =	swait.ge [sflag:s23], $0x1  }
0xa3: {  	[sflag:s23] =	ssyncset.done $0x0  }
0xa4: {  	s25 =	simm.s32 $0x1B8E;
	s24 =	sld [smem:$0x3FFE];
	[sflag:s23] =	ssyncadd.s32 $0xFFFFFFFF  }
0xa5: {  	s26 =	simm.s32 $execute0_lowered;
	[smem:$0x3FD2] =	sst s25  }
0xa6: {  	s4 =	sshll.u32 s26, $0x1;
	_ =	strace $0x80000046;
	[dreg:$0x1] =	wrdreg $0xFFFFFFFF  }
0xa7: {  	s28 =	simm.s32 $_size_execute0_lowered;
	s2 =	sadd.s32 s2, s4;
	[dreg:$0x0] =	wrdreg $0x0  }
0xa8: {  	s4 =	sshll.u32 s28, $0x1;
	[dreg:$0x2] =	wrdreg s2  }
0xa9: {  	[dreg:$0x3] =	wrdreg s4  }
0xaa: {  	[dreg:$0x4] =	wrdreg $0xC0  }
0xab: {  	_ =	task [dreg:s6], $0x5FFFF  }
0xac: {  	[dreg:$0x1] =	wrdreg $0xFFFFFFFF  }
0xad: {  	[dreg:$0x0] =	wrdreg $0x60  }
0xae: {  	[dreg:$0x2] =	wrdreg s24  }
0xaf: {  	[dreg:$0x3] =	wrdreg $0x9  }
0xb0: {  	_ =	task.clear_ibuf [dreg:s6], $0x4FFFF;
	_ =	strace $0x90000046  }
0xb1: {  	s29 =	simm.s32 $0x9;
	_ =	strace $0x80000048  }
0xb2: {  	_ =	swait.ge [sflag:s29], $0x1  }
0xb3: {  	[sflag:s29] =	ssyncadd.s32 $0xFFFFFFFF  }
0xb4: {  	_ =	strace $0x90000048  }
0xb5: {  	_ =	sfence  }
0xb6: {  	s30 =	sld [smem:$0x0];
	_ =	sdelay $0x2  }
0xb7: {  	s31 =	sshll.u32 s1, $0xD;
	s1 =	sshrl.u32 s1, $0x2  }
0xb8: {  	s3 =	sand.u32 $0x4000, s31;
	s1 =	sadd.s32 s1, s30  }
0xb9: {  	s0 =	sor.u32 s3, s0;
	s1 =	sshll.u32 s1, $0x11  }
0xba: {  	s0 =	sor.u32 s1, s0  }
0xbb: {  	s0 =	sadd.s32 $0x8F2B, s0  }
0xbc: {  	[sflag:s0] =	ssyncadd.remote.s32 $0x1  }
0xbd: {  	_ =	sfence.sel $0xFFFF  }
0xbe: {  	[dreg:$0x0] =	wrdreg $0xFFFFFFFF;
	(pc) =	sbr.abs _section_cstart, $3  }
0xbf: {  	[dreg:$0x1] =	wrdreg $0xFFFFFFFF  }
0xc0: {  	_ =	task.clear_ibuf [dreg:s6], $0x2FFFF;
	_ =	strace $0x9FFFFFFF  }
0xc1: {  	(tm) =	ssettm $0x7FFFFFFF  }
tec
execute0_lowered:
.L_overlay_start_1:
0x0: {  	(tag) =	ssettag $0x1  }
0x1: {  	s2 =	rddreg [dreg:$0x0]  }
0x2: {  	s0 =	rddreg [dreg:$0x1];
	s1 =	simm.s32 $0x0  }
0x3: {  	s4 =	srdreg.scid;
	s17 =	simm.s32 $0x1;
	s18 =	simm.s32 $0x4800  }
0x4: {  	s19 =	simm.s32 $0x2;
	s20 =	simm.s32 $0x8800;
	s21 =	simm.s32 $0x0  }
0x5: {  	[smem:$0x7FF] =	sst s1;
	s3 =	sadd.s32 $0x9800, s2;
	s10 =	sadd.s32 $0x1800, s2  }
0x6: {  	s4 =	sand.u32 $0x1, s4;
	s11 =	sadd.s32 $0x11800, s2;
	s2 =	stileid.u32  }
0x7: {  	_ =	strace $0x80000047;
	s5 =	ssub.s32 $0x2, s4;
	s9 =	sshll.u32 s4, $0x9  }
0x8: {  	s12 =	sshll.u32 s2, $0xE;
	s13 =	sshll.u32 s2, $0xA;
	s25 =	sshrl.u32 s5, $0x1  }
0x9: {  	s6 =	sor.u32 s9, s12;
	s7 =	sor.u32 s9, s13;
	s29 =	sor.u32 $0x80, s9  }
0xa: {  	s15 =	sor.u32 $0x100, s9;
	s9 =	sor.u32 $0x180, s9;
	s14 =	ssub.s32 s5, s25  }
0xb: {  	s26 =	sshrl.u32 s6, $0x3;
	s28 =	sshrl.u32 s7, $0x3;
	s30 =	sor.u32 s12, s29  }
0xc: {  	s6 =	sor.u32 s13, s29;
	s16 =	sor.u32 s12, s15;
	s15 =	sor.u32 s13, s15  }
0xd: {  	s12 =	sor.u32 s12, s9;
	s13 =	sor.u32 s13, s9;
	s4 =	sadd.s32 s10, s26  }
0xe: {  	s5 =	sadd.s32 s11, s28;
	s7 =	sshrl.u32 s30, $0x3;
	s8 =	sshrl.u32 s6, $0x3  }
0xf: {  	s31 =	sshrl.u32 s16, $0x3;
	s15 =	sshrl.u32 s15, $0x3;
	s12 =	sshrl.u32 s12, $0x3  }
0x10: {  	s13 =	sshrl.u32 s13, $0x3;
	s16 =	simm.s32 $0x800;
	s6 =	sadd.s32 s10, s7  }
0x11: {  	s7 =	sadd.s32 s11, s8;
	s8 =	sadd.s32 s10, s31;
	s9 =	sadd.s32 s11, s15  }
0x12: {  	s10 =	sadd.s32 s10, s12;
	s11 =	sadd.s32 s11, s13;
	s12 =	smax.u32 s14, $0x1  }
0x13: {  	s13 =	simm.s32 $0x80;
	s14 =	simm.s32 $0x400;
	s15 =	simm.s32 $0x3  }
.LBB2_1:
0x14: {  	[tilespmem:s1], [sflag:$0x3] =	stream.strided.gather [hbm4b:s4+s13], $0x800, s14, s13, $0x38;
	[tilespmem:$0x8880] =	vst v63  }
0x15: {  	v4 =	vimm.f32 $1.000000000e+00;
	v0 =	vimm.f32 $0.0e+00;
	v1 =	vimm.f32 $0.0e+00;
	_ =	swait.ge [sflag:s15], $0x800  }
0x16: {  	v11 =	vimm.f32 $0.0e+00;
	v14 =	vimm.f32 $0.0e+00;
	v3 =	vimm.f32 $0.0e+00;
	[sflag:s15] =	ssyncset.done $0x0  }
0x17: {  	v10 =	vimm.f32 $0.0e+00;
	v6 =	vimm.f32 $0.0e+00;
	v2 =	vimm.f32 $0.0e+00;
	s22 =	simm.s32 $0x0;
	[sflag:s15] =	ssyncadd.s32 $0xFFFFF800  }
0x18: {  	v18 =	vimm.f32 $0.0e+00;
	v16 =	vimm.f32 $0.0e+00;
	v19 =	vimm.f32 $1.000000000e+00;
	[tilespmem:s16], [sflag:$0x1] =	stream.indirect.gather [hbm4b:s3+s13], $0x80, s1, s13, $0xb8;
	[tilespmem:$0x8880] =	vst v63  }
.LBB2_2:
0x19: {  	_ =	swait.ge [sflag:s17], $0x4000;
	s23 =	sshll.u32 s22, $0x8  }
0x1a: {  	[sflag:s17] =	ssyncset.done $0x0;
	s23 =	sand.u32 $0x3FFFFF00, s23  }
0x1b: {  	s25 =	simm.s32 $0x0;
	[sflag:s17] =	ssyncadd.s32 $0xFFFFC000;
	s24 =	sor.u32 $0x80, s23  }
0x1c: {  	[tilespmem:s18], [sflag:$0x2] =	stream.indirect.gather [hbm4b:s3+s13], $0x80, s24, s13, $0xb8;
	[tilespmem:$0x8880] =	vst v63  }
0x1d: {  	v5 =	vld [tilespmem:s25+$0x810]  }
0x1e: {  	v7 =	vld [tilespmem:s25+$0x820]  }
0x1f: {  	v8 =	vld [tilespmem:s25+$0x800];
	_ =	sdelay $0x1  }
0x20: {  	v9 =	vld [tilespmem:s25+$0x830];
	_ =	sdelay $0x1  }
0x21: {  	v12 =	vmul.f32 v7, v19;
	v15 =	vmul.f32 v5, v4  }
0x22: {  	v20 =	vld [tilespmem:s25+$0x840];
	v13 =	vmul.f32 v8, v16;
	v5 =	vmul.f32 v5, v18  }
0x23: {  	v8 =	vmul.f32 v8, v19;
	v7 =	vmul.f32 v7, v16  }
0x24: {  	v21 =	vld [tilespmem:s25+$0x850];
	v17 =	vmul.f32 v9, v4;
	v9 =	vmul.f32 v9, v18  }
0x25: {  	s24 =	simm.s32 $0x80;
	v23 =	vadd.f32 v12, v13;
	v13 =	vsub.f32 v8, v7  }
0x26: {  	v22 =	vld [tilespmem:s24+$0x810];
	v24 =	vadd.f32 v17, v5;
	v5 =	vsub.f32 v15, v9  }
0x27: {  	v12 =	vld [tilespmem:s24+$0x820];
	v15 =	vmul.f32 v20, v23;
	v20 =	vmul.f32 v20, v13  }
0x28: {  	v17 =	vld [tilespmem:s24+$0x800];
	v9 =	vadd.f32 v24, v3;
	v3 =	vadd.f32 v5, v6  }
0x29: {  	v25 =	vmul.f32 v21, v5;
	v5 =	vsub.f32 v4, v5;
	v4 =	vadd.f32 v20, v14;
	v14 =	vld [tilespmem:s24+$0x830]  }
0x2a: {  	v8 =	vsub.f32 v18, v24  }
0x2b: {  	v7 =	vsub.f32 v19, v13;
	v6 =	vsub.f32 v16, v23;
	v20 =	vmul.f32 v21, v24  }
0x2c: {  	v10 =	vadd.f32 v23, v10;
	v18 =	vmul.f32 v22, v5;
	v22 =	vmul.f32 v22, v8  }
0x2d: {  	s25 =	simm.s32 $0x400;
	v16 =	vld [tilespmem:s24+$0x840];
	v11 =	vadd.f32 v25, v11;
	v19 =	vmul.f32 v12, v7;
	v21 =	vmul.f32 v17, v6  }
.LBB2_3:
0x2e: {  	p0 =	sne.s32 s25, $0xFE00;
	v23 =	vld [tilespmem:s24+$0x850];
	s24 =	sshra.s32 s25, $0x2;
	s25 =	sadd.s32 $0x200, s25;
	v17 =	vmul.f32 v17, v7;
	v24 =	vmul.f32 v14, v5;
	v0 =	vadd.f32 v20, v0  }
0x2f: {  	v20 =	vmul.f32 v12, v6;
	v2 =	vadd.f32 v13, v2;
	v1 =	vadd.f32 v15, v1;
	v25 =	vld [tilespmem:s24+$0x810]  }
0x30: {  	v15 =	vmul.f32 v14, v8;
	v21 =	vadd.f32 v19, v21;
	v14 =	vld [tilespmem:s24+$0x830];
	v19 =	vadd.f32 v24, v22  }
0x31: {  	v13 =	vsub.f32 v17, v20;
	v12 =	vld [tilespmem:s24+$0x820]  }
0x32: {  	v18 =	vsub.f32 v18, v15;
	v17 =	vld [tilespmem:s24+$0x800];
	v9 =	vadd.f32 v19, v9;
	v15 =	vmul.f32 v16, v21  }
.Ltmp0:
0x33: {  	v16 =	vmul.f32 v16, v13;
	v7 =	vsub.f32 v7, v13;
	v8 =	vsub.f32 v8, v19;
	(pc) =	sbr.rel @p0 .LBB2_3-.Ltmp0, $4  }
0x34: {  	v3 =	vadd.f32 v18, v3;
	v5 =	vsub.f32 v5, v18;
	v24 =	vmul.f32 v23, v18  }
0x35: {  	v6 =	vsub.f32 v6, v21;
	v20 =	vmul.f32 v23, v19;
	v4 =	vadd.f32 v16, v4  }
0x36: {  	v10 =	vadd.f32 v21, v10;
	v18 =	vmul.f32 v25, v5;
	v19 =	vmul.f32 v12, v7  }
0x37: {  	v22 =	vmul.f32 v25, v8;
	v11 =	vadd.f32 v24, v11;
	v16 =	vld [tilespmem:s24+$0x840];
	v21 =	vmul.f32 v17, v6  }
0x38: {  	v23 =	vld [tilespmem:s24+$0x850];
	_ =	swait.ge [sflag:s19], $0x4000;
	p0 =	seq.s32 s22, $0x7  }
0x39: {  	s31 =	simm.s32 $0x0;
	[sflag:s19] =	ssyncset.done $0x0;
	s23 =	sadd.s32 @!p0 $0x100, s23  }
0x3a: {  	v17 =	vmul.f32 v17, v7;
	v24 =	vmul.f32 v14, v5;
	s24 =	simm.s32 @!p0 $0x80;
	s25 =	simm.s32 @!p0 $0x800;
	[sflag:s19] =	ssyncadd.s32 $0xFFFFC000  }
0x3b: {  	v0 =	vadd.f32 v20, v0;
	v12 =	vmul.f32 v12, v6;
	v2 =	vadd.f32 v13, v2;
	[tilespmem:s25], [sflag:$0x1] =	stream.indirect.gather @!p0 [hbm4b:s3+s24], $0x80, s23, s24, $0xb8;
	[tilespmem:$0x8880] =	vst v63  }
0x3c: {  	v13 =	vadd.f32 v15, v1;
	v1 =	vmul.f32 v14, v8;
	v19 =	vadd.f32 v19, v21;
	v15 =	vld [tilespmem:s31+$0x4810]  }
0x3d: {  	v14 =	vadd.f32 v24, v22;
	v12 =	vsub.f32 v17, v12;
	v17 =	vld [tilespmem:s31+$0x4820]  }
0x3e: {  	v1 =	vsub.f32 v18, v1;
	v63 =	vsub.f32 v6, v19;
	v18 =	vld [tilespmem:s31+$0x4800]  }
0x3f: {  	v10 =	vadd.f32 v19, v10;
	v9 =	vadd.f32 v14, v9;
	v20 =	vmul.f32 v16, v12;
	v21 =	vld [tilespmem:s31+$0x4830]  }
0x40: {  	v7 =	vsub.f32 v7, v12;
	v8 =	vsub.f32 v8, v14;
	v16 =	vmul.f32 v16, v19  }
0x41: {  	v22 =	vadd.f32 v1, v3;
	v5 =	vsub.f32 v5, v1;
	v1 =	vmul.f32 v23, v1  }
0x42: {  	v3 =	vmul.f32 v23, v14;
	v20 =	vadd.f32 v20, v4;
	v4 =	vmul.f32 v17, v7  }
0x43: {  	v11 =	vadd.f32 v1, v11;
	v14 =	vmul.f32 v15, v5;
	v6 =	vmul.f32 v18, v63  }
0x44: {  	v19 =	vld [tilespmem:s31+$0x4840];
	v0 =	vadd.f32 v3, v0;
	v3 =	vmul.f32 v15, v8;
	v15 =	vmul.f32 v21, v5  }
0x45: {  	v1 =	vadd.f32 v12, v2;
	v2 =	vld [tilespmem:s31+$0x4850];
	v18 =	vmul.f32 v18, v7;
	v17 =	vmul.f32 v17, v63  }
0x46: {  	s23 =	simm.s32 $0x80;
	v25 =	vadd.f32 v4, v6;
	v4 =	vmul.f32 v21, v8;
	v21 =	vadd.f32 v15, v3  }
0x47: {  	v23 =	vld [tilespmem:s23+$0x4810];
	v6 =	vadd.f32 v16, v13;
	v13 =	vsub.f32 v18, v17  }
0x48: {  	v12 =	vld [tilespmem:s23+$0x4820];
	v14 =	vsub.f32 v14, v4;
	v3 =	vadd.f32 v21, v9  }
0x49: {  	v17 =	vld [tilespmem:s23+$0x4800];
	v9 =	vmul.f32 v19, v13;
	v4 =	vsub.f32 v7, v13;
	v7 =	vsub.f32 v8, v21  }
0x4a: {  	v8 =	vadd.f32 v14, v22;
	v26 =	vmul.f32 v2, v14;
	v5 =	vsub.f32 v5, v14;
	v14 =	vld [tilespmem:s23+$0x4830]  }
0x4b: {  	v15 =	vmul.f32 v19, v25  }
0x4c: {  	v9 =	vadd.f32 v9, v20;
	v20 =	vmul.f32 v2, v21;
	v2 =	vsub.f32 v63, v25  }
0x4d: {  	v10 =	vadd.f32 v25, v10;
	v19 =	vmul.f32 v12, v4;
	v22 =	vmul.f32 v23, v7  }
0x4e: {  	s24 =	simm.s32 $0x400;
	v16 =	vld [tilespmem:s23+$0x4840];
	v18 =	vmul.f32 v23, v5;
	v21 =	vmul.f32 v17, v2;
	v11 =	vadd.f32 v26, v11  }
.LBB2_5:
0x4f: {  	p0 =	sne.s32 s24, $0xFE00;
	v23 =	vld [tilespmem:s23+$0x4850];
	s23 =	sshra.s32 s24, $0x2;
	s24 =	sadd.s32 $0x200, s24;
	v17 =	vmul.f32 v17, v4;
	v24 =	vmul.f32 v14, v5;
	v0 =	vadd.f32 v20, v0  }
0x50: {  	v20 =	vmul.f32 v12, v2;
	v1 =	vadd.f32 v13, v1;
	v6 =	vadd.f32 v15, v6;
	v25 =	vld [tilespmem:s23+$0x4810]  }
0x51: {  	v15 =	vmul.f32 v14, v7;
	v21 =	vadd.f32 v19, v21;
	v14 =	vld [tilespmem:s23+$0x4830];
	v19 =	vadd.f32 v24, v22  }
0x52: {  	v13 =	vsub.f32 v17, v20;
	v12 =	vld [tilespmem:s23+$0x4820]  }
0x53: {  	v18 =	vsub.f32 v18, v15;
	v17 =	vld [tilespmem:s23+$0x4800];
	v3 =	vadd.f32 v19, v3;
	v15 =	vmul.f32 v16, v21  }
.Ltmp1:
0x54: {  	v16 =	vmul.f32 v16, v13;
	v4 =	vsub.f32 v4, v13;
	v7 =	vsub.f32 v7, v19;
	(pc) =	sbr.rel @p0 .LBB2_5-.Ltmp1, $4  }
0x55: {  	v8 =	vadd.f32 v18, v8;
	v5 =	vsub.f32 v5, v18;
	v24 =	vmul.f32 v23, v18  }
0x56: {  	v2 =	vsub.f32 v2, v21;
	v20 =	vmul.f32 v23, v19;
	v9 =	vadd.f32 v16, v9  }
0x57: {  	v10 =	vadd.f32 v21, v10;
	v18 =	vmul.f32 v25, v5;
	v19 =	vmul.f32 v12, v4  }
0x58: {  	v22 =	vmul.f32 v25, v7;
	v11 =	vadd.f32 v24, v11;
	v16 =	vld [tilespmem:s23+$0x4840];
	v21 =	vmul.f32 v17, v2  }
0x59: {  	v17 =	vmul.f32 v17, v4;
	v24 =	vmul.f32 v14, v5  }
0x5a: {  	v0 =	vadd.f32 v20, v0;
	v12 =	vmul.f32 v12, v2;
	v1 =	vadd.f32 v13, v1  }
0x5b: {  	v23 =	vld [tilespmem:s23+$0x4850];
	v13 =	vadd.f32 v15, v6;
	v6 =	vmul.f32 v14, v7;
	v15 =	vadd.f32 v24, v22  }
0x5c: {  	v12 =	vsub.f32 v17, v12;
	v17 =	vadd.f32 v19, v21  }
0x5d: {  	s22 =	sadd.s32 $0x1, s22;
	v14 =	vsub.f32 v18, v6;
	v3 =	vadd.f32 v15, v3  }
0x5e: {  	p0 =	sne.s32 s22, $0x8;
	v19 =	vsub.f32 v4, v12;
	v18 =	vsub.f32 v7, v15  }
.Ltmp2:
0x5f: {  	v20 =	vmul.f32 v16, v12;
	v6 =	vadd.f32 v14, v8;
	v4 =	vsub.f32 v5, v14;
	(pc) =	sbr.rel @p0 .LBB2_2-.Ltmp2, $4  }
0x60: {  	v8 =	vmul.f32 v16, v17;
	v16 =	vsub.f32 v2, v17;
	v5 =	vmul.f32 v23, v15  }
0x61: {  	v10 =	vadd.f32 v17, v10;
	v2 =	vadd.f32 v12, v1;
	v7 =	vmul.f32 v23, v14  }
0x62: {  	v14 =	vadd.f32 v20, v9;
	v0 =	vadd.f32 v5, v0  }
0x63: {  	v1 =	vadd.f32 v8, v13;
	v11 =	vadd.f32 v7, v11  }
0x64: {  	v4 =	vadd.f32 $1.000000000e+00, v14  }
0x65: {  	v5 =	vadd.f32 $1.000000000e+00, v11  }
0x66: {  	v1 =	vsub.f32 v1, v10;
	v2 =	vsub.f32 v4, v2  }
0x67: {  	v0 =	vsub.f32 v0, v3;
	v4 =	vsub.f32 v5, v6  }
0x68: {  	v1 =	vmul.f32 v1, v1;
	v2 =	vmul.f32 v2, v2  }
0x69: {  	v0 =	vmul.f32 v0, v0;
	v3 =	vmul.f32 v4, v4  }
0x6a: {  	v1 =	vadd.f32 v1, v2  }
0x6b: {  	v0 =	vadd.f32 v0, v3  }
0x6c: {  	[tilespmem:$0x8800] =	vst v1  }
0x6d: {  	s22 =	simm.s32 $0x0;
	[tilespmem:$0x8810] =	vst v0  }
0x6e: {  	[hbm4b:s5+s22] =	stream.linear.scatter [tilespmem:s20], [sflag:$0x3], $0x80, $0x38;
	[tilespmem:$0x8880] =	vst v63  }
0x6f: {  	_ =	swait.ge [sflag:s15], $0x80  }
0x70: {  	[sflag:s15] =	ssyncset.done $0x0  }
0x71: {  	[sflag:s15] =	ssyncadd.s32 $0xFFFFFF80  }
0x72: {  	[tilespmem:s22], [sflag:$0x3] =	stream.strided.gather [hbm4b:s6+s13], $0x800, s14, s13, $0x38;
	[tilespmem:$0x8880] =	vst v63  }
0x73: {  	v14 =	vimm.f32 $0.0e+00;
	v18 =	vimm.f32 $0.0e+00;
	v16 =	vimm.f32 $0.0e+00;
	_ =	swait.ge [sflag:s15], $0x800  }
0x74: {  	v19 =	vimm.f32 $1.000000000e+00;
	v11 =	vimm.f32 $0.0e+00;
	v10 =	vimm.f32 $0.0e+00;
	[sflag:s15] =	ssyncset.done $0x0  }
0x75: {  	v6 =	vimm.f32 $0.0e+00;
	v4 =	vimm.f32 $1.000000000e+00;
	v2 =	vimm.f32 $0.0e+00;
	[sflag:s15] =	ssyncadd.s32 $0xFFFFF800  }
0x76: {  	v3 =	vimm.f32 $0.0e+00;
	v1 =	vimm.f32 $0.0e+00;
	v0 =	vimm.f32 $0.0e+00;
	[tilespmem:s16], [sflag:$0x1] =	stream.indirect.gather [hbm4b:s3+s13], $0x80, s22, s13, $0xb8;
	[tilespmem:$0x8880] =	vst v63  }
.LBB2_8:
0x77: {  	_ =	swait.ge [sflag:s17], $0x4000;
	s23 =	sshll.u32 s22, $0x8  }
0x78: {  	[sflag:s17] =	ssyncset.done $0x0;
	s23 =	sand.u32 $0x3FFFFF00, s23  }
0x79: {  	s25 =	simm.s32 $0x0;
	[sflag:s17] =	ssyncadd.s32 $0xFFFFC000;
	s24 =	sor.u32 $0x80, s23  }
0x7a: {  	[tilespmem:s18], [sflag:$0x2] =	stream.indirect.gather [hbm4b:s3+s13], $0x80, s24, s13, $0xb8;
	[tilespmem:$0x8880] =	vst v63  }
0x7b: {  	v5 =	vld [tilespmem:s25+$0x810]  }
0x7c: {  	v7 =	vld [tilespmem:s25+$0x820]  }
0x7d: {  	v8 =	vld [tilespmem:s25+$0x800];
	_ =	sdelay $0x1  }
0x7e: {  	v9 =	vld [tilespmem:s25+$0x830];
	_ =	sdelay $0x1  }
0x7f: {  	v12 =	vmul.f32 v7, v19;
	v15 =	vmul.f32 v5, v4  }
0x80: {  	v20 =	vld [tilespmem:s25+$0x840];
	v13 =	vmul.f32 v8, v16;
	v5 =	vmul.f32 v5, v18  }
0x81: {  	v8 =	vmul.f32 v8, v19;
	v7 =	vmul.f32 v7, v16  }
0x82: {  	v21 =	vld [tilespmem:s25+$0x850];
	v17 =	vmul.f32 v9, v4;
	v9 =	vmul.f32 v9, v18  }
0x83: {  	s24 =	simm.s32 $0x80;
	v23 =	vadd.f32 v12, v13;
	v13 =	vsub.f32 v8, v7  }
0x84: {  	v22 =	vld [tilespmem:s24+$0x810];
	v24 =	vadd.f32 v17, v5;
	v5 =	vsub.f32 v15, v9  }
0x85: {  	v12 =	vld [tilespmem:s24+$0x820];
	v15 =	vmul.f32 v20, v23;
	v20 =	vmul.f32 v20, v13  }
0x86: {  	v17 =	vld [tilespmem:s24+$0x800];
	v9 =	vadd.f32 v24, v3;
	v3 =	vadd.f32 v5, v6  }
0x87: {  	v25 =	vmul.f32 v21, v5;
	v5 =	vsub.f32 v4, v5;
	v4 =	vadd.f32 v20, v14;
	v14 =	vld [tilespmem:s24+$0x830]  }
0x88: {  	v8 =	vsub.f32 v18, v24  }
0x89: {  	v7 =	vsub.f32 v19, v13;
	v6 =	vsub.f32 v16, v23;
	v20 =	vmul.f32 v21, v24  }
0x8a: {  	v10 =	vadd.f32 v23, v10;
	v18 =	vmul.f32 v22, v5;
	v22 =	vmul.f32 v22, v8  }
0x8b: {  	s25 =	simm.s32 $0x400;
	v16 =	vld [tilespmem:s24+$0x840];
	v11 =	vadd.f32 v25, v11;
	v19 =	vmul.f32 v12, v7;
	v21 =	vmul.f32 v17, v6  }
.LBB2_9:
0x8c: {  	p0 =	sne.s32 s25, $0xFE00;
	v23 =	vld [tilespmem:s24+$0x850];
	s24 =	sshra.s32 s25, $0x2;
	s25 =	sadd.s32 $0x200, s25;
	v17 =	vmul.f32 v17, v7;
	v24 =	vmul.f32 v14, v5;
	v0 =	vadd.f32 v20, v0  }
0x8d: {  	v20 =	vmul.f32 v12, v6;
	v2 =	vadd.f32 v13, v2;
	v1 =	vadd.f32 v15, v1;
	v25 =	vld [tilespmem:s24+$0x810]  }
0x8e: {  	v15 =	vmul.f32 v14, v8;
	v21 =	vadd.f32 v19, v21;
	v14 =	vld [tilespmem:s24+$0x830];
	v19 =	vadd.f32 v24, v22  }
0x8f: {  	v13 =	vsub.f32 v17, v20;
	v12 =	vld [tilespmem:s24+$0x820]  }
0x90: {  	v18 =	vsub.f32 v18, v15;
	v17 =	vld [tilespmem:s24+$0x800];
	v9 =	vadd.f32 v19, v9;
	v15 =	vmul.f32 v16, v21  }
.Ltmp3:
0x91: {  	v16 =	vmul.f32 v16, v13;
	v7 =	vsub.f32 v7, v13;
	v8 =	vsub.f32 v8, v19;
	(pc) =	sbr.rel @p0 .LBB2_9-.Ltmp3, $4  }
0x92: {  	v3 =	vadd.f32 v18, v3;
	v5 =	vsub.f32 v5, v18;
	v24 =	vmul.f32 v23, v18  }
0x93: {  	v6 =	vsub.f32 v6, v21;
	v20 =	vmul.f32 v23, v19;
	v4 =	vadd.f32 v16, v4  }
0x94: {  	v10 =	vadd.f32 v21, v10;
	v18 =	vmul.f32 v25, v5;
	v19 =	vmul.f32 v12, v7  }
0x95: {  	v22 =	vmul.f32 v25, v8;
	v11 =	vadd.f32 v24, v11;
	v16 =	vld [tilespmem:s24+$0x840];
	v21 =	vmul.f32 v17, v6  }
0x96: {  	v23 =	vld [tilespmem:s24+$0x850];
	_ =	swait.ge [sflag:s19], $0x4000;
	p0 =	seq.s32 s22, $0x7  }
0x97: {  	s31 =	simm.s32 $0x0;
	[sflag:s19] =	ssyncset.done $0x0;
	s23 =	sadd.s32 @!p0 $0x100, s23  }
0x98: {  	v17 =	vmul.f32 v17, v7;
	v24 =	vmul.f32 v14, v5;
	s24 =	simm.s32 @!p0 $0x80;
	s25 =	simm.s32 @!p0 $0x800;
	[sflag:s19] =	ssyncadd.s32 $0xFFFFC000  }
0x99: {  	v0 =	vadd.f32 v20, v0;
	v12 =	vmul.f32 v12, v6;
	v2 =	vadd.f32 v13, v2;
	[tilespmem:s25], [sflag:$0x1] =	stream.indirect.gather @!p0 [hbm4b:s3+s24], $0x80, s23, s24, $0xb8;
	[tilespmem:$0x8880] =	vst v63  }
0x9a: {  	v13 =	vadd.f32 v15, v1;
	v1 =	vmul.f32 v14, v8;
	v19 =	vadd.f32 v19, v21;
	v15 =	vld [tilespmem:s31+$0x4810]  }
0x9b: {  	v14 =	vadd.f32 v24, v22;
	v12 =	vsub.f32 v17, v12;
	v17 =	vld [tilespmem:s31+$0x4820]  }
0x9c: {  	v1 =	vsub.f32 v18, v1;
	v63 =	vsub.f32 v6, v19;
	v18 =	vld [tilespmem:s31+$0x4800]  }
0x9d: {  	v10 =	vadd.f32 v19, v10;
	v9 =	vadd.f32 v14, v9;
	v20 =	vmul.f32 v16, v12;
	v21 =	vld [tilespmem:s31+$0x4830]  }
0x9e: {  	v7 =	vsub.f32 v7, v12;
	v8 =	vsub.f32 v8, v14;
	v16 =	vmul.f32 v16, v19  }
0x9f: {  	v22 =	vadd.f32 v1, v3;
	v5 =	vsub.f32 v5, v1;
	v1 =	vmul.f32 v23, v1  }
0xa0: {  	v3 =	vmul.f32 v23, v14;
	v20 =	vadd.f32 v20, v4;
	v4 =	vmul.f32 v17, v7  }
0xa1: {  	v11 =	vadd.f32 v1, v11;
	v14 =	vmul.f32 v15, v5;
	v6 =	vmul.f32 v18, v63  }
0xa2: {  	v19 =	vld [tilespmem:s31+$0x4840];
	v0 =	vadd.f32 v3, v0;
	v3 =	vmul.f32 v15, v8;
	v15 =	vmul.f32 v21, v5  }
0xa3: {  	v1 =	vadd.f32 v12, v2;
	v2 =	vld [tilespmem:s31+$0x4850];
	v18 =	vmul.f32 v18, v7;
	v17 =	vmul.f32 v17, v63  }
0xa4: {  	s23 =	simm.s32 $0x80;
	v25 =	vadd.f32 v4, v6;
	v4 =	vmul.f32 v21, v8;
	v21 =	vadd.f32 v15, v3  }
0xa5: {  	v23 =	vld [tilespmem:s23+$0x4810];
	v6 =	vadd.f32 v16, v13;
	v13 =	vsub.f32 v18, v17  }
0xa6: {  	v12 =	vld [tilespmem:s23+$0x4820];
	v14 =	vsub.f32 v14, v4;
	v3 =	vadd.f32 v21, v9  }
0xa7: {  	v17 =	vld [tilespmem:s23+$0x4800];
	v9 =	vmul.f32 v19, v13;
	v4 =	vsub.f32 v7, v13;
	v7 =	vsub.f32 v8, v21  }
0xa8: {  	v8 =	vadd.f32 v14, v22;
	v26 =	vmul.f32 v2, v14;
	v5 =	vsub.f32 v5, v14;
	v14 =	vld [tilespmem:s23+$0x4830]  }
0xa9: {  	v15 =	vmul.f32 v19, v25  }
0xaa: {  	v9 =	vadd.f32 v9, v20;
	v20 =	vmul.f32 v2, v21;
	v2 =	vsub.f32 v63, v25  }
0xab: {  	v10 =	vadd.f32 v25, v10;
	v19 =	vmul.f32 v12, v4;
	v22 =	vmul.f32 v23, v7  }
0xac: {  	s24 =	simm.s32 $0x400;
	v16 =	vld [tilespmem:s23+$0x4840];
	v18 =	vmul.f32 v23, v5;
	v21 =	vmul.f32 v17, v2;
	v11 =	vadd.f32 v26, v11  }
.LBB2_11:
0xad: {  	p0 =	sne.s32 s24, $0xFE00;
	v23 =	vld [tilespmem:s23+$0x4850];
	s23 =	sshra.s32 s24, $0x2;
	s24 =	sadd.s32 $0x200, s24;
	v17 =	vmul.f32 v17, v4;
	v24 =	vmul.f32 v14, v5;
	v0 =	vadd.f32 v20, v0  }
0xae: {  	v20 =	vmul.f32 v12, v2;
	v1 =	vadd.f32 v13, v1;
	v6 =	vadd.f32 v15, v6;
	v25 =	vld [tilespmem:s23+$0x4810]  }
0xaf: {  	v15 =	vmul.f32 v14, v7;
	v21 =	vadd.f32 v19, v21;
	v14 =	vld [tilespmem:s23+$0x4830];
	v19 =	vadd.f32 v24, v22  }
0xb0: {  	v13 =	vsub.f32 v17, v20;
	v12 =	vld [tilespmem:s23+$0x4820]  }
0xb1: {  	v18 =	vsub.f32 v18, v15;
	v17 =	vld [tilespmem:s23+$0x4800];
	v3 =	vadd.f32 v19, v3;
	v15 =	vmul.f32 v16, v21  }
.Ltmp4:
0xb2: {  	v16 =	vmul.f32 v16, v13;
	v4 =	vsub.f32 v4, v13;
	v7 =	vsub.f32 v7, v19;
	(pc) =	sbr.rel @p0 .LBB2_11-.Ltmp4, $4  }
0xb3: {  	v8 =	vadd.f32 v18, v8;
	v5 =	vsub.f32 v5, v18;
	v24 =	vmul.f32 v23, v18  }
0xb4: {  	v2 =	vsub.f32 v2, v21;
	v20 =	vmul.f32 v23, v19;
	v9 =	vadd.f32 v16, v9  }
0xb5: {  	v10 =	vadd.f32 v21, v10;
	v18 =	vmul.f32 v25, v5;
	v19 =	vmul.f32 v12, v4  }
0xb6: {  	v22 =	vmul.f32 v25, v7;
	v11 =	vadd.f32 v24, v11;
	v16 =	vld [tilespmem:s23+$0x4840];
	v21 =	vmul.f32 v17, v2  }
0xb7: {  	v17 =	vmul.f32 v17, v4;
	v24 =	vmul.f32 v14, v5  }
0xb8: {  	v0 =	vadd.f32 v20, v0;
	v12 =	vmul.f32 v12, v2;
	v1 =	vadd.f32 v13, v1  }
0xb9: {  	v23 =	vld [tilespmem:s23+$0x4850];
	v13 =	vadd.f32 v15, v6;
	v6 =	vmul.f32 v14, v7;
	v15 =	vadd.f32 v24, v22  }
0xba: {  	v12 =	vsub.f32 v17, v12;
	v17 =	vadd.f32 v19, v21  }
0xbb: {  	s22 =	sadd.s32 $0x1, s22;
	v14 =	vsub.f32 v18, v6;
	v3 =	vadd.f32 v15, v3  }
0xbc: {  	p0 =	sne.s32 s22, $0x8;
	v19 =	vsub.f32 v4, v12;
	v18 =	vsub.f32 v7, v15  }
.Ltmp5:
0xbd: {  	v20 =	vmul.f32 v16, v12;
	v6 =	vadd.f32 v14, v8;
	v4 =	vsub.f32 v5, v14;
	(pc) =	sbr.rel @p0 .LBB2_8-.Ltmp5, $4  }
0xbe: {  	v8 =	vmul.f32 v16, v17;
	v16 =	vsub.f32 v2, v17;
	v5 =	vmul.f32 v23, v15  }
0xbf: {  	v10 =	vadd.f32 v17, v10;
	v2 =	vadd.f32 v12, v1;
	v7 =	vmul.f32 v23, v14  }
0xc0: {  	v14 =	vadd.f32 v20, v9;
	v0 =	vadd.f32 v5, v0  }
0xc1: {  	v1 =	vadd.f32 v8, v13;
	v11 =	vadd.f32 v7, v11  }
0xc2: {  	v4 =	vadd.f32 $1.000000000e+00, v14  }
0xc3: {  	v5 =	vadd.f32 $1.000000000e+00, v11  }
0xc4: {  	v1 =	vsub.f32 v1, v10;
	v2 =	vsub.f32 v4, v2  }
0xc5: {  	v0 =	vsub.f32 v0, v3;
	v4 =	vsub.f32 v5, v6  }
0xc6: {  	v1 =	vmul.f32 v1, v1;
	v2 =	vmul.f32 v2, v2  }
0xc7: {  	v0 =	vmul.f32 v0, v0;
	v3 =	vmul.f32 v4, v4  }
0xc8: {  	v1 =	vadd.f32 v1, v2  }
0xc9: {  	v0 =	vadd.f32 v0, v3  }
0xca: {  	[tilespmem:$0x8800] =	vst v1  }
0xcb: {  	s22 =	simm.s32 $0x0;
	[tilespmem:$0x8810] =	vst v0  }
0xcc: {  	[hbm4b:s7+s22] =	stream.linear.scatter [tilespmem:s20], [sflag:$0x3], $0x80, $0x38;
	[tilespmem:$0x8880] =	vst v63  }
0xcd: {  	_ =	swait.ge [sflag:s15], $0x80  }
0xce: {  	[sflag:s15] =	ssyncset.done $0x0  }
0xcf: {  	[sflag:s15] =	ssyncadd.s32 $0xFFFFFF80  }
0xd0: {  	[tilespmem:s22], [sflag:$0x3] =	stream.strided.gather [hbm4b:s8+s13], $0x800, s14, s13, $0x38;
	[tilespmem:$0x8880] =	vst v63  }
0xd1: {  	v14 =	vimm.f32 $0.0e+00;
	v18 =	vimm.f32 $0.0e+00;
	v16 =	vimm.f32 $0.0e+00;
	_ =	swait.ge [sflag:s15], $0x800  }
0xd2: {  	v19 =	vimm.f32 $1.000000000e+00;
	v11 =	vimm.f32 $0.0e+00;
	v10 =	vimm.f32 $0.0e+00;
	[sflag:s15] =	ssyncset.done $0x0  }
0xd3: {  	v6 =	vimm.f32 $0.0e+00;
	v4 =	vimm.f32 $1.000000000e+00;
	v2 =	vimm.f32 $0.0e+00;
	[sflag:s15] =	ssyncadd.s32 $0xFFFFF800  }
0xd4: {  	v3 =	vimm.f32 $0.0e+00;
	v1 =	vimm.f32 $0.0e+00;
	v0 =	vimm.f32 $0.0e+00;
	[tilespmem:s16], [sflag:$0x1] =	stream.indirect.gather [hbm4b:s3+s13], $0x80, s22, s13, $0xb8;
	[tilespmem:$0x8880] =	vst v63  }
.LBB2_14:
0xd5: {  	_ =	swait.ge [sflag:s17], $0x4000;
	s23 =	sshll.u32 s22, $0x8  }
0xd6: {  	[sflag:s17] =	ssyncset.done $0x0;
	s23 =	sand.u32 $0x3FFFFF00, s23  }
0xd7: {  	s25 =	simm.s32 $0x0;
	[sflag:s17] =	ssyncadd.s32 $0xFFFFC000;
	s24 =	sor.u32 $0x80, s23  }
0xd8: {  	[tilespmem:s18], [sflag:$0x2] =	stream.indirect.gather [hbm4b:s3+s13], $0x80, s24, s13, $0xb8;
	[tilespmem:$0x8880] =	vst v63  }
0xd9: {  	v5 =	vld [tilespmem:s25+$0x810]  }
0xda: {  	v7 =	vld [tilespmem:s25+$0x820]  }
0xdb: {  	v8 =	vld [tilespmem:s25+$0x800];
	_ =	sdelay $0x1  }
0xdc: {  	v9 =	vld [tilespmem:s25+$0x830];
	_ =	sdelay $0x1  }
0xdd: {  	v12 =	vmul.f32 v7, v19;
	v15 =	vmul.f32 v5, v4  }
0xde: {  	v20 =	vld [tilespmem:s25+$0x840];
	v13 =	vmul.f32 v8, v16;
	v5 =	vmul.f32 v5, v18  }
0xdf: {  	v8 =	vmul.f32 v8, v19;
	v7 =	vmul.f32 v7, v16  }
0xe0: {  	v21 =	vld [tilespmem:s25+$0x850];
	v17 =	vmul.f32 v9, v4;
	v9 =	vmul.f32 v9, v18  }
0xe1: {  	s24 =	simm.s32 $0x80;
	v23 =	vadd.f32 v12, v13;
	v13 =	vsub.f32 v8, v7  }
0xe2: {  	v22 =	vld [tilespmem:s24+$0x810];
	v24 =	vadd.f32 v17, v5;
	v5 =	vsub.f32 v15, v9  }
0xe3: {  	v12 =	vld [tilespmem:s24+$0x820];
	v15 =	vmul.f32 v20, v23;
	v20 =	vmul.f32 v20, v13  }
0xe4: {  	v17 =	vld [tilespmem:s24+$0x800];
	v9 =	vadd.f32 v24, v3;
	v3 =	vadd.f32 v5, v6  }
0xe5: {  	v25 =	vmul.f32 v21, v5;
	v5 =	vsub.f32 v4, v5;
	v4 =	vadd.f32 v20, v14;
	v14 =	vld [tilespmem:s24+$0x830]  }
0xe6: {  	v8 =	vsub.f32 v18, v24  }
0xe7: {  	v7 =	vsub.f32 v19, v13;
	v6 =	vsub.f32 v16, v23;
	v20 =	vmul.f32 v21, v24  }
0xe8: {  	v10 =	vadd.f32 v23, v10;
	v18 =	vmul.f32 v22, v5;
	v22 =	vmul.f32 v22, v8  }
0xe9: {  	s25 =	simm.s32 $0x400;
	v16 =	vld [tilespmem:s24+$0x840];
	v11 =	vadd.f32 v25, v11;
	v19 =	vmul.f32 v12, v7;
	v21 =	vmul.f32 v17, v6  }
.LBB2_15:
0xea: {  	p0 =	sne.s32 s25, $0xFE00;
	v23 =	vld [tilespmem:s24+$0x850];
	s24 =	sshra.s32 s25, $0x2;
	s25 =	sadd.s32 $0x200, s25;
	v17 =	vmul.f32 v17, v7;
	v24 =	vmul.f32 v14, v5;
	v0 =	vadd.f32 v20, v0  }
0xeb: {  	v20 =	vmul.f32 v12, v6;
	v2 =	vadd.f32 v13, v2;
	v1 =	vadd.f32 v15, v1;
	v25 =	vld [tilespmem:s24+$0x810]  }
0xec: {  	v15 =	vmul.f32 v14, v8;
	v21 =	vadd.f32 v19, v21;
	v14 =	vld [tilespmem:s24+$0x830];
	v19 =	vadd.f32 v24, v22  }
0xed: {  	v13 =	vsub.f32 v17, v20;
	v12 =	vld [tilespmem:s24+$0x820]  }
0xee: {  	v18 =	vsub.f32 v18, v15;
	v17 =	vld [tilespmem:s24+$0x800];
	v9 =	vadd.f32 v19, v9;
	v15 =	vmul.f32 v16, v21  }
.Ltmp6:
0xef: {  	v16 =	vmul.f32 v16, v13;
	v7 =	vsub.f32 v7, v13;
	v8 =	vsub.f32 v8, v19;
	(pc) =	sbr.rel @p0 .LBB2_15-.Ltmp6, $4  }
0xf0: {  	v3 =	vadd.f32 v18, v3;
	v5 =	vsub.f32 v5, v18;
	v24 =	vmul.f32 v23, v18  }
0xf1: {  	v6 =	vsub.f32 v6, v21;
	v20 =	vmul.f32 v23, v19;
	v4 =	vadd.f32 v16, v4  }
0xf2: {  	v10 =	vadd.f32 v21, v10;
	v18 =	vmul.f32 v25, v5;
	v19 =	vmul.f32 v12, v7  }
0xf3: {  	v22 =	vmul.f32 v25, v8;
	v11 =	vadd.f32 v24, v11;
	v16 =	vld [tilespmem:s24+$0x840];
	v21 =	vmul.f32 v17, v6  }
0xf4: {  	v23 =	vld [tilespmem:s24+$0x850];
	_ =	swait.ge [sflag:s19], $0x4000;
	p0 =	seq.s32 s22, $0x7  }
0xf5: {  	s31 =	simm.s32 $0x0;
	[sflag:s19] =	ssyncset.done $0x0;
	s23 =	sadd.s32 @!p0 $0x100, s23  }
0xf6: {  	v17 =	vmul.f32 v17, v7;
	v24 =	vmul.f32 v14, v5;
	s24 =	simm.s32 @!p0 $0x80;
	s25 =	simm.s32 @!p0 $0x800;
	[sflag:s19] =	ssyncadd.s32 $0xFFFFC000  }
0xf7: {  	v0 =	vadd.f32 v20, v0;
	v12 =	vmul.f32 v12, v6;
	v2 =	vadd.f32 v13, v2;
	[tilespmem:s25], [sflag:$0x1] =	stream.indirect.gather @!p0 [hbm4b:s3+s24], $0x80, s23, s24, $0xb8;
	[tilespmem:$0x8880] =	vst v63  }
0xf8: {  	v13 =	vadd.f32 v15, v1;
	v1 =	vmul.f32 v14, v8;
	v19 =	vadd.f32 v19, v21;
	v15 =	vld [tilespmem:s31+$0x4810]  }
0xf9: {  	v14 =	vadd.f32 v24, v22;
	v12 =	vsub.f32 v17, v12;
	v17 =	vld [tilespmem:s31+$0x4820]  }
0xfa: {  	v1 =	vsub.f32 v18, v1;
	v63 =	vsub.f32 v6, v19;
	v18 =	vld [tilespmem:s31+$0x4800]  }
0xfb: {  	v10 =	vadd.f32 v19, v10;
	v9 =	vadd.f32 v14, v9;
	v20 =	vmul.f32 v16, v12;
	v21 =	vld [tilespmem:s31+$0x4830]  }
0xfc: {  	v7 =	vsub.f32 v7, v12;
	v8 =	vsub.f32 v8, v14;
	v16 =	vmul.f32 v16, v19  }
0xfd: {  	v22 =	vadd.f32 v1, v3;
	v5 =	vsub.f32 v5, v1;
	v1 =	vmul.f32 v23, v1  }
0xfe: {  	v3 =	vmul.f32 v23, v14;
	v20 =	vadd.f32 v20, v4;
	v4 =	vmul.f32 v17, v7  }
0xff: {  	v11 =	vadd.f32 v1, v11;
	v14 =	vmul.f32 v15, v5;
	v6 =	vmul.f32 v18, v63  }
0x100: {  	v19 =	vld [tilespmem:s31+$0x4840];
	v0 =	vadd.f32 v3, v0;
	v3 =	vmul.f32 v15, v8;
	v15 =	vmul.f32 v21, v5  }
0x101: {  	v1 =	vadd.f32 v12, v2;
	v2 =	vld [tilespmem:s31+$0x4850];
	v18 =	vmul.f32 v18, v7;
	v17 =	vmul.f32 v17, v63  }
0x102: {  	s23 =	simm.s32 $0x80;
	v25 =	vadd.f32 v4, v6;
	v4 =	vmul.f32 v21, v8;
	v21 =	vadd.f32 v15, v3  }
0x103: {  	v23 =	vld [tilespmem:s23+$0x4810];
	v6 =	vadd.f32 v16, v13;
	v13 =	vsub.f32 v18, v17  }
0x104: {  	v12 =	vld [tilespmem:s23+$0x4820];
	v14 =	vsub.f32 v14, v4;
	v3 =	vadd.f32 v21, v9  }
0x105: {  	v17 =	vld [tilespmem:s23+$0x4800];
	v9 =	vmul.f32 v19, v13;
	v4 =	vsub.f32 v7, v13;
	v7 =	vsub.f32 v8, v21  }
0x106: {  	v8 =	vadd.f32 v14, v22;
	v26 =	vmul.f32 v2, v14;
	v5 =	vsub.f32 v5, v14;
	v14 =	vld [tilespmem:s23+$0x4830]  }
0x107: {  	v15 =	vmul.f32 v19, v25  }
0x108: {  	v9 =	vadd.f32 v9, v20;
	v20 =	vmul.f32 v2, v21;
	v2 =	vsub.f32 v63, v25  }
0x109: {  	v10 =	vadd.f32 v25, v10;
	v19 =	vmul.f32 v12, v4;
	v22 =	vmul.f32 v23, v7  }
0x10a: {  	s24 =	simm.s32 $0x400;
	v16 =	vld [tilespmem:s23+$0x4840];
	v18 =	vmul.f32 v23, v5;
	v21 =	vmul.f32 v17, v2;
	v11 =	vadd.f32 v26, v11  }
.LBB2_17:
0x10b: {  	p0 =	sne.s32 s24, $0xFE00;
	v23 =	vld [tilespmem:s23+$0x4850];
	s23 =	sshra.s32 s24, $0x2;
	s24 =	sadd.s32 $0x200, s24;
	v17 =	vmul.f32 v17, v4;
	v24 =	vmul.f32 v14, v5;
	v0 =	vadd.f32 v20, v0  }
0x10c: {  	v20 =	vmul.f32 v12, v2;
	v1 =	vadd.f32 v13, v1;
	v6 =	vadd.f32 v15, v6;
	v25 =	vld [tilespmem:s23+$0x4810]  }
0x10d: {  	v15 =	vmul.f32 v14, v7;
	v21 =	vadd.f32 v19, v21;
	v14 =	vld [tilespmem:s23+$0x4830];
	v19 =	vadd.f32 v24, v22  }
0x10e: {  	v13 =	vsub.f32 v17, v20;
	v12 =	vld [tilespmem:s23+$0x4820]  }
0x10f: {  	v18 =	vsub.f32 v18, v15;
	v17 =	vld [tilespmem:s23+$0x4800];
	v3 =	vadd.f32 v19, v3;
	v15 =	vmul.f32 v16, v21  }
.Ltmp7:
0x110: {  	v16 =	vmul.f32 v16, v13;
	v4 =	vsub.f32 v4, v13;
	v7 =	vsub.f32 v7, v19;
	(pc) =	sbr.rel @p0 .LBB2_17-.Ltmp7, $4  }
0x111: {  	v8 =	vadd.f32 v18, v8;
	v5 =	vsub.f32 v5, v18;
	v24 =	vmul.f32 v23, v18  }
0x112: {  	v2 =	vsub.f32 v2, v21;
	v20 =	vmul.f32 v23, v19;
	v9 =	vadd.f32 v16, v9  }
0x113: {  	v10 =	vadd.f32 v21, v10;
	v18 =	vmul.f32 v25, v5;
	v19 =	vmul.f32 v12, v4  }
0x114: {  	v22 =	vmul.f32 v25, v7;
	v11 =	vadd.f32 v24, v11;
	v16 =	vld [tilespmem:s23+$0x4840];
	v21 =	vmul.f32 v17, v2  }
0x115: {  	v17 =	vmul.f32 v17, v4;
	v24 =	vmul.f32 v14, v5  }
0x116: {  	v0 =	vadd.f32 v20, v0;
	v12 =	vmul.f32 v12, v2;
	v1 =	vadd.f32 v13, v1  }
0x117: {  	v23 =	vld [tilespmem:s23+$0x4850];
	v13 =	vadd.f32 v15, v6;
	v6 =	vmul.f32 v14, v7;
	v15 =	vadd.f32 v24, v22  }
0x118: {  	v12 =	vsub.f32 v17, v12;
	v17 =	vadd.f32 v19, v21  }
0x119: {  	s22 =	sadd.s32 $0x1, s22;
	v14 =	vsub.f32 v18, v6;
	v3 =	vadd.f32 v15, v3  }
0x11a: {  	p0 =	sne.s32 s22, $0x8;
	v19 =	vsub.f32 v4, v12;
	v18 =	vsub.f32 v7, v15  }
.Ltmp8:
0x11b: {  	v20 =	vmul.f32 v16, v12;
	v6 =	vadd.f32 v14, v8;
	v4 =	vsub.f32 v5, v14;
	(pc) =	sbr.rel @p0 .LBB2_14-.Ltmp8, $4  }
0x11c: {  	v8 =	vmul.f32 v16, v17;
	v16 =	vsub.f32 v2, v17;
	v5 =	vmul.f32 v23, v15  }
0x11d: {  	v10 =	vadd.f32 v17, v10;
	v2 =	vadd.f32 v12, v1;
	v7 =	vmul.f32 v23, v14  }
0x11e: {  	v14 =	vadd.f32 v20, v9;
	v0 =	vadd.f32 v5, v0  }
0x11f: {  	v1 =	vadd.f32 v8, v13;
	v11 =	vadd.f32 v7, v11  }
0x120: {  	v4 =	vadd.f32 $1.000000000e+00, v14  }
0x121: {  	v5 =	vadd.f32 $1.000000000e+00, v11  }
0x122: {  	v1 =	vsub.f32 v1, v10;
	v2 =	vsub.f32 v4, v2  }
0x123: {  	v0 =	vsub.f32 v0, v3;
	v4 =	vsub.f32 v5, v6  }
0x124: {  	v1 =	vmul.f32 v1, v1;
	v2 =	vmul.f32 v2, v2  }
0x125: {  	v0 =	vmul.f32 v0, v0;
	v3 =	vmul.f32 v4, v4  }
0x126: {  	v1 =	vadd.f32 v1, v2  }
0x127: {  	v0 =	vadd.f32 v0, v3  }
0x128: {  	[tilespmem:$0x8800] =	vst v1  }
0x129: {  	s22 =	simm.s32 $0x0;
	[tilespmem:$0x8810] =	vst v0  }
0x12a: {  	[hbm4b:s9+s22] =	stream.linear.scatter [tilespmem:s20], [sflag:$0x3], $0x80, $0x38;
	[tilespmem:$0x8880] =	vst v63  }
0x12b: {  	_ =	swait.ge [sflag:s15], $0x80  }
0x12c: {  	[sflag:s15] =	ssyncset.done $0x0  }
0x12d: {  	[sflag:s15] =	ssyncadd.s32 $0xFFFFFF80  }
0x12e: {  	[tilespmem:s22], [sflag:$0x3] =	stream.strided.gather [hbm4b:s10+s13], $0x800, s14, s13, $0x38;
	[tilespmem:$0x8880] =	vst v63  }
0x12f: {  	v14 =	vimm.f32 $0.0e+00;
	v18 =	vimm.f32 $0.0e+00;
	v16 =	vimm.f32 $0.0e+00;
	_ =	swait.ge [sflag:s15], $0x800  }
0x130: {  	v19 =	vimm.f32 $1.000000000e+00;
	v11 =	vimm.f32 $0.0e+00;
	v10 =	vimm.f32 $0.0e+00;
	[sflag:s15] =	ssyncset.done $0x0  }
0x131: {  	v6 =	vimm.f32 $0.0e+00;
	v4 =	vimm.f32 $1.000000000e+00;
	v2 =	vimm.f32 $0.0e+00;
	[sflag:s15] =	ssyncadd.s32 $0xFFFFF800  }
0x132: {  	v3 =	vimm.f32 $0.0e+00;
	v1 =	vimm.f32 $0.0e+00;
	v0 =	vimm.f32 $0.0e+00;
	[tilespmem:s16], [sflag:$0x1] =	stream.indirect.gather [hbm4b:s3+s13], $0x80, s22, s13, $0xb8;
	[tilespmem:$0x8880] =	vst v63  }
.LBB2_20:
0x133: {  	_ =	swait.ge [sflag:s17], $0x4000;
	s23 =	sshll.u32 s22, $0x8  }
0x134: {  	[sflag:s17] =	ssyncset.done $0x0;
	s23 =	sand.u32 $0x3FFFFF00, s23  }
0x135: {  	s25 =	simm.s32 $0x0;
	[sflag:s17] =	ssyncadd.s32 $0xFFFFC000;
	s24 =	sor.u32 $0x80, s23  }
0x136: {  	[tilespmem:s18], [sflag:$0x2] =	stream.indirect.gather [hbm4b:s3+s13], $0x80, s24, s13, $0xb8;
	[tilespmem:$0x8880] =	vst v63  }
0x137: {  	v5 =	vld [tilespmem:s25+$0x810]  }
0x138: {  	v7 =	vld [tilespmem:s25+$0x820]  }
0x139: {  	v8 =	vld [tilespmem:s25+$0x800];
	_ =	sdelay $0x1  }
0x13a: {  	v9 =	vld [tilespmem:s25+$0x830];
	_ =	sdelay $0x1  }
0x13b: {  	v12 =	vmul.f32 v7, v19;
	v15 =	vmul.f32 v5, v4  }
0x13c: {  	v20 =	vld [tilespmem:s25+$0x840];
	v13 =	vmul.f32 v8, v16;
	v5 =	vmul.f32 v5, v18  }
0x13d: {  	v8 =	vmul.f32 v8, v19;
	v7 =	vmul.f32 v7, v16  }
0x13e: {  	v21 =	vld [tilespmem:s25+$0x850];
	v17 =	vmul.f32 v9, v4;
	v9 =	vmul.f32 v9, v18  }
0x13f: {  	s24 =	simm.s32 $0x80;
	v23 =	vadd.f32 v12, v13;
	v13 =	vsub.f32 v8, v7  }
0x140: {  	v22 =	vld [tilespmem:s24+$0x810];
	v24 =	vadd.f32 v17, v5;
	v5 =	vsub.f32 v15, v9  }
0x141: {  	v12 =	vld [tilespmem:s24+$0x820];
	v15 =	vmul.f32 v20, v23;
	v20 =	vmul.f32 v20, v13  }
0x142: {  	v17 =	vld [tilespmem:s24+$0x800];
	v9 =	vadd.f32 v24, v3;
	v3 =	vadd.f32 v5, v6  }
0x143: {  	v25 =	vmul.f32 v21, v5;
	v5 =	vsub.f32 v4, v5;
	v4 =	vadd.f32 v20, v14;
	v14 =	vld [tilespmem:s24+$0x830]  }
0x144: {  	v8 =	vsub.f32 v18, v24  }
0x145: {  	v7 =	vsub.f32 v19, v13;
	v6 =	vsub.f32 v16, v23;
	v20 =	vmul.f32 v21, v24  }
0x146: {  	v10 =	vadd.f32 v23, v10;
	v18 =	vmul.f32 v22, v5;
	v22 =	vmul.f32 v22, v8  }
0x147: {  	s25 =	simm.s32 $0x400;
	v16 =	vld [tilespmem:s24+$0x840];
	v11 =	vadd.f32 v25, v11;
	v19 =	vmul.f32 v12, v7;
	v21 =	vmul.f32 v17, v6  }
.LBB2_21:
0x148: {  	p0 =	sne.s32 s25, $0xFE00;
	v23 =	vld [tilespmem:s24+$0x850];
	s24 =	sshra.s32 s25, $0x2;
	s25 =	sadd.s32 $0x200, s25;
	v17 =	vmul.f32 v17, v7;
	v24 =	vmul.f32 v14, v5;
	v0 =	vadd.f32 v20, v0  }
0x149: {  	v20 =	vmul.f32 v12, v6;
	v2 =	vadd.f32 v13, v2;
	v1 =	vadd.f32 v15, v1;
	v25 =	vld [tilespmem:s24+$0x810]  }
0x14a: {  	v15 =	vmul.f32 v14, v8;
	v21 =	vadd.f32 v19, v21;
	v14 =	vld [tilespmem:s24+$0x830];
	v19 =	vadd.f32 v24, v22  }
0x14b: {  	v13 =	vsub.f32 v17, v20;
	v12 =	vld [tilespmem:s24+$0x820]  }
0x14c: {  	v18 =	vsub.f32 v18, v15;
	v17 =	vld [tilespmem:s24+$0x800];
	v9 =	vadd.f32 v19, v9;
	v15 =	vmul.f32 v16, v21  }
.Ltmp9:
0x14d: {  	v16 =	vmul.f32 v16, v13;
	v7 =	vsub.f32 v7, v13;
	v8 =	vsub.f32 v8, v19;
	(pc) =	sbr.rel @p0 .LBB2_21-.Ltmp9, $4  }
0x14e: {  	v3 =	vadd.f32 v18, v3;
	v5 =	vsub.f32 v5, v18;
	v24 =	vmul.f32 v23, v18  }
0x14f: {  	v6 =	vsub.f32 v6, v21;
	v20 =	vmul.f32 v23, v19;
	v4 =	vadd.f32 v16, v4  }
0x150: {  	v10 =	vadd.f32 v21, v10;
	v18 =	vmul.f32 v25, v5;
	v19 =	vmul.f32 v12, v7  }
0x151: {  	v22 =	vmul.f32 v25, v8;
	v11 =	vadd.f32 v24, v11;
	v16 =	vld [tilespmem:s24+$0x840];
	v21 =	vmul.f32 v17, v6  }
0x152: {  	v23 =	vld [tilespmem:s24+$0x850];
	_ =	swait.ge [sflag:s19], $0x4000;
	p0 =	seq.s32 s22, $0x7  }
0x153: {  	s31 =	simm.s32 $0x0;
	[sflag:s19] =	ssyncset.done $0x0;
	s23 =	sadd.s32 @!p0 $0x100, s23  }
0x154: {  	v17 =	vmul.f32 v17, v7;
	v24 =	vmul.f32 v14, v5;
	s24 =	simm.s32 @!p0 $0x80;
	s25 =	simm.s32 @!p0 $0x800;
	[sflag:s19] =	ssyncadd.s32 $0xFFFFC000  }
0x155: {  	v0 =	vadd.f32 v20, v0;
	v12 =	vmul.f32 v12, v6;
	v2 =	vadd.f32 v13, v2;
	[tilespmem:s25], [sflag:$0x1] =	stream.indirect.gather @!p0 [hbm4b:s3+s24], $0x80, s23, s24, $0xb8;
	[tilespmem:$0x8880] =	vst v63  }
0x156: {  	v13 =	vadd.f32 v15, v1;
	v1 =	vmul.f32 v14, v8;
	v19 =	vadd.f32 v19, v21;
	v15 =	vld [tilespmem:s31+$0x4810]  }
0x157: {  	v14 =	vadd.f32 v24, v22;
	v12 =	vsub.f32 v17, v12;
	v17 =	vld [tilespmem:s31+$0x4820]  }
0x158: {  	v1 =	vsub.f32 v18, v1;
	v63 =	vsub.f32 v6, v19;
	v18 =	vld [tilespmem:s31+$0x4800]  }
0x159: {  	v10 =	vadd.f32 v19, v10;
	v9 =	vadd.f32 v14, v9;
	v20 =	vmul.f32 v16, v12;
	v21 =	vld [tilespmem:s31+$0x4830]  }
0x15a: {  	v7 =	vsub.f32 v7, v12;
	v8 =	vsub.f32 v8, v14;
	v16 =	vmul.f32 v16, v19  }
0x15b: {  	v22 =	vadd.f32 v1, v3;
	v5 =	vsub.f32 v5, v1;
	v1 =	vmul.f32 v23, v1  }
0x15c: {  	v3 =	vmul.f32 v23, v14;
	v20 =	vadd.f32 v20, v4;
	v4 =	vmul.f32 v17, v7  }
0x15d: {  	v11 =	vadd.f32 v1, v11;
	v14 =	vmul.f32 v15, v5;
	v6 =	vmul.f32 v18, v63  }
0x15e: {  	v19 =	vld [tilespmem:s31+$0x4840];
	v0 =	vadd.f32 v3, v0;
	v3 =	vmul.f32 v15, v8;
	v15 =	vmul.f32 v21, v5  }
0x15f: {  	v1 =	vadd.f32 v12, v2;
	v2 =	vld [tilespmem:s31+$0x4850];
	v18 =	vmul.f32 v18, v7;
	v17 =	vmul.f32 v17, v63  }
0x160: {  	s23 =	simm.s32 $0x80;
	v25 =	vadd.f32 v4, v6;
	v4 =	vmul.f32 v21, v8;
	v21 =	vadd.f32 v15, v3  }
0x161: {  	v23 =	vld [tilespmem:s23+$0x4810];
	v6 =	vadd.f32 v16, v13;
	v13 =	vsub.f32 v18, v17  }
0x162: {  	v12 =	vld [tilespmem:s23+$0x4820];
	v14 =	vsub.f32 v14, v4;
	v3 =	vadd.f32 v21, v9  }
0x163: {  	v17 =	vld [tilespmem:s23+$0x4800];
	v9 =	vmul.f32 v19, v13;
	v4 =	vsub.f32 v7, v13;
	v7 =	vsub.f32 v8, v21  }
0x164: {  	v8 =	vadd.f32 v14, v22;
	v26 =	vmul.f32 v2, v14;
	v5 =	vsub.f32 v5, v14;
	v14 =	vld [tilespmem:s23+$0x4830]  }
0x165: {  	v15 =	vmul.f32 v19, v25  }
0x166: {  	v9 =	vadd.f32 v9, v20;
	v20 =	vmul.f32 v2, v21;
	v2 =	vsub.f32 v63, v25  }
0x167: {  	v10 =	vadd.f32 v25, v10;
	v19 =	vmul.f32 v12, v4;
	v22 =	vmul.f32 v23, v7  }
0x168: {  	s24 =	simm.s32 $0x400;
	v16 =	vld [tilespmem:s23+$0x4840];
	v18 =	vmul.f32 v23, v5;
	v21 =	vmul.f32 v17, v2;
	v11 =	vadd.f32 v26, v11  }
.LBB2_23:
0x169: {  	p0 =	sne.s32 s24, $0xFE00;
	v23 =	vld [tilespmem:s23+$0x4850];
	s23 =	sshra.s32 s24, $0x2;
	s24 =	sadd.s32 $0x200, s24;
	v17 =	vmul.f32 v17, v4;
	v24 =	vmul.f32 v14, v5;
	v0 =	vadd.f32 v20, v0  }
0x16a: {  	v20 =	vmul.f32 v12, v2;
	v1 =	vadd.f32 v13, v1;
	v6 =	vadd.f32 v15, v6;
	v25 =	vld [tilespmem:s23+$0x4810]  }
0x16b: {  	v15 =	vmul.f32 v14, v7;
	v21 =	vadd.f32 v19, v21;
	v14 =	vld [tilespmem:s23+$0x4830];
	v19 =	vadd.f32 v24, v22  }
0x16c: {  	v13 =	vsub.f32 v17, v20;
	v12 =	vld [tilespmem:s23+$0x4820]  }
0x16d: {  	v18 =	vsub.f32 v18, v15;
	v17 =	vld [tilespmem:s23+$0x4800];
	v3 =	vadd.f32 v19, v3;
	v15 =	vmul.f32 v16, v21  }
.Ltmp10:
0x16e: {  	v16 =	vmul.f32 v16, v13;
	v4 =	vsub.f32 v4, v13;
	v7 =	vsub.f32 v7, v19;
	(pc) =	sbr.rel @p0 .LBB2_23-.Ltmp10, $4  }
0x16f: {  	v8 =	vadd.f32 v18, v8;
	v5 =	vsub.f32 v5, v18;
	v24 =	vmul.f32 v23, v18  }
0x170: {  	v2 =	vsub.f32 v2, v21;
	v20 =	vmul.f32 v23, v19;
	v9 =	vadd.f32 v16, v9  }
0x171: {  	v10 =	vadd.f32 v21, v10;
	v18 =	vmul.f32 v25, v5;
	v19 =	vmul.f32 v12, v4  }
0x172: {  	v22 =	vmul.f32 v25, v7;
	v11 =	vadd.f32 v24, v11;
	v16 =	vld [tilespmem:s23+$0x4840];
	v21 =	vmul.f32 v17, v2  }
0x173: {  	v17 =	vmul.f32 v17, v4;
	v24 =	vmul.f32 v14, v5  }
0x174: {  	v0 =	vadd.f32 v20, v0;
	v12 =	vmul.f32 v12, v2;
	v1 =	vadd.f32 v13, v1  }
0x175: {  	v23 =	vld [tilespmem:s23+$0x4850];
	v13 =	vadd.f32 v15, v6;
	v6 =	vmul.f32 v14, v7;
	v15 =	vadd.f32 v24, v22  }
0x176: {  	v12 =	vsub.f32 v17, v12;
	v17 =	vadd.f32 v19, v21  }
0x177: {  	s22 =	sadd.s32 $0x1, s22;
	v14 =	vsub.f32 v18, v6;
	v3 =	vadd.f32 v15, v3  }
0x178: {  	p0 =	sne.s32 s22, $0x8;
	v19 =	vsub.f32 v4, v12;
	v18 =	vsub.f32 v7, v15  }
.Ltmp11:
0x179: {  	v20 =	vmul.f32 v16, v12;
	v6 =	vadd.f32 v14, v8;
	v4 =	vsub.f32 v5, v14;
	(pc) =	sbr.rel @p0 .LBB2_20-.Ltmp11, $4  }
0x17a: {  	v8 =	vmul.f32 v16, v17;
	v16 =	vsub.f32 v2, v17;
	v5 =	vmul.f32 v23, v15  }
0x17b: {  	v10 =	vadd.f32 v17, v10;
	v2 =	vadd.f32 v12, v1;
	v7 =	vmul.f32 v23, v14  }
0x17c: {  	v14 =	vadd.f32 v20, v9;
	v0 =	vadd.f32 v5, v0  }
0x17d: {  	v1 =	vadd.f32 v8, v13;
	v11 =	vadd.f32 v7, v11  }
0x17e: {  	v4 =	vadd.f32 $1.000000000e+00, v14  }
0x17f: {  	v5 =	vadd.f32 $1.000000000e+00, v11  }
0x180: {  	v1 =	vsub.f32 v1, v10;
	v2 =	vsub.f32 v4, v2  }
0x181: {  	v0 =	vsub.f32 v0, v3;
	v62 =	vsub.f32 v5, v6  }
0x182: {  	v1 =	vmul.f32 v1, v1;
	v2 =	vmul.f32 v2, v2  }
0x183: {  	v0 =	vmul.f32 v0, v0;
	v63 =	vmul.f32 v62, v62  }
0x184: {  	v1 =	vadd.f32 v1, v2  }
0x185: {  	s21 =	sadd.s32 $0x1, s21;
	v0 =	vadd.f32 v0, v63  }
0x186: {  	p0 =	sne.s32 s21, s12;
	[tilespmem:$0x8800] =	vst v1  }
.Ltmp12:
0x187: {  	[tilespmem:$0x8810] =	vst v0;
	(pc) =	sbr.rel @p0 .LBB2_1-.Ltmp12, $4  }
0x188: {  	[hbm4b:s11+s1] =	stream.linear.scatter [tilespmem:s20], [sflag:$0x3], $0x80, $0x38;
	[tilespmem:$0x8880] =	vst v63  }
0x189: {  	_ =	swait.ge [sflag:s15], $0x80  }
0x18a: {  	[sflag:s15] =	ssyncset.done $0x0  }
0x18b: {  	[sflag:s15] =	ssyncadd.s32 $0xFFFFFF80  }
0x18c: {  	_ =	sfence.sel $0x180000  }
0x18d: {  	[bflag:$0x0] =	sbarrier.arrive $0xFFFF  }
0x18e: {  	p0 =	sne.s32 s2, $0x0;
	_ =	strace $0x90000047  }
0x18f: {  	s0 =	sadd.s32 @!p0 $0x100000, s0;
	[bflag:$0x2] =	sbarrier.arrive $0xFFFF  }
0x190: {  	[sflag:s0] =	ssyncadd.tile.s32 @!p0 $0x1;
	_ =	shalt  }
.Lfunc_end2:
_tile_overlayer_lowered:
.L_overlay_start_2:
0x191: {  	(tag) =	ssettag $0x2  }
0x192: {  	s0 =	rddreg [dreg:$0x0];
	s2 =	stileid.u32  }
0x193: {  	s1 =	rddreg [dreg:$0x1];
	p0 =	sne.s32 s2, $0x0  }
0x194: {  	s3 =	rddreg [dreg:$0x2];
	[bflag:$0x3] =	sbarrier.arrive $0xFFFF;
	s2 =	simm.s32 @!p0 $0x1C03  }
0x195: {  	[timem:s3], [sflag:s2] =	dma.local @!p0 [hbm:s0], s1  }
0x196: {  	s0 =	simm.s32 @!p0 $0x3  }
0x197: {  	_ =	swait.ge @!p0 [sflag:s0], s1  }
0x198: {  	s1 =	ssub.s32 @!p0 $0x0, s1;
	[sflag:s0] =	ssyncset.done @!p0 $0x0  }
0x199: {  	[sflag:s0] =	ssyncadd.s32 @!p0 s1  }
0x19a: {  	[bflag:$0x3] =	sbarrier.arrive $0xFFFF  }
0x19b: {  	_ =	shalt  }

</sc_bundles>
